<compile_context>
chip_gen: v7x
topology: tpu7x:2x2x1
jax: 0.10.2.dev20260603
libtpu: 0.0.44.dev20260713+nightly
codegen_flags: <defaults>
</compile_context>

<pallas_src>
import functools

import jax
import jax.numpy as jnp
from jax import lax
from jax.experimental import pallas as pl
from jax.experimental.pallas import tpu as pltpu
from jax.experimental.pallas import tpu_sc as plsc

_BSUB = 1
_NC, _NS, _L = 2, 16, 16


def _sc_winner_gather(votes_hbm, pres_hbm, idx_hbm, wv_hbm, wp_hbm,
                      idx_v, gidx_v, rows_v, pv_v, sem, sem2):
    npts = idx_hbm.shape[0]
    nv = pres_hbm.shape[0]
    v_per_b = nv // 16
    per_w = npts // (_NC * _NS)
    p_per_b = npts // 16
    wid = lax.axis_index("s") * _NC + lax.axis_index("c")
    base = wid * per_w

    pltpu.sync_copy(idx_hbm.at[pl.ds(base, per_w)], idx_v)
    boff = (base // p_per_b) * v_per_b
    for j in range(per_w // _L):
        gidx_v[pl.ds(j * _L, _L)] = idx_v[pl.ds(j * _L, _L)] + boff
    cp_rows = pltpu.async_copy(votes_hbm.at[gidx_v], rows_v, sem)
    cp_pres = pltpu.async_copy(pres_hbm.at[gidx_v], pv_v, sem2)
    cp_rows.wait()
    cp_pres.wait()
    pltpu.sync_copy(rows_v, wv_hbm.at[pl.ds(base, per_w)])
    pltpu.sync_copy(pv_v, wp_hbm.at[pl.ds(base, per_w)])


def _capsule_kernel(x_ref, votes_ref, scales_ref, pres_ref,
                    lp_ref, vp_ref, idx_ref,
                    ml_ref, mlp_ref, post_ref):
    step = pl.program_id(0)
    P, d = x_ref.shape[1], x_ref.shape[2]
    V = votes_ref.shape[1]
    f32 = jnp.float32

    c_dummy = -2.0 * jnp.log(10.0)
    c_2pi = jnp.log(2.0 * jnp.pi)
    ones_col = jnp.ones((V, 1), f32)
    ut = (lax.broadcasted_iota(jnp.int32, (V, V), 0)
          < lax.broadcasted_iota(jnp.int32, (V, V), 1)).astype(f32)
    iota_col = lax.broadcasted_iota(jnp.int32, (V, 1), 0).astype(f32)

    def dot(a, bm, prec=lax.Precision.DEFAULT):
        return lax.dot_general(a, bm, (((1,), (0,)), ((), ())),
                               preferred_element_type=f32, precision=prec)

    partial = jnp.float32(0.0)
    for i in range(_BSUB):
        xb = x_ref[i]
        vb = votes_ref[i]
        s = scales_ref[i]
        pr = pres_ref[i]

        xn = jnp.sum(xb * xb, axis=1, keepdims=True)
        vn = lax.dot_general(jnp.ones((1, d), f32), vb * vb,
                             (((1,), (1,)), ((), ())),
                             preferred_element_type=f32,
                             precision=lax.Precision.HIGHEST)
        g = lax.dot_general(xb, vb, (((1,), (1,)), ((), ())),
                            preferred_element_type=f32,
                            precision=lax.Precision.HIGHEST)

        ml = jnp.log(pr + 1e-16)
        m0 = jnp.maximum(jnp.max(ml), c_dummy)
        lse = m0 + jnp.log(jnp.sum(jnp.exp(ml - m0)) + jnp.exp(c_dummy - m0))
        mlp = ml - lse
        mlp_d = c_dummy - lse

        logs = jnp.log(s)
        arow = -0.5 / (s * s)
        crow = mlp - (d * 1.0) * logs - (0.5 * d) * c_2pi
        t = (xn - 2.0 * g + vn) * arow + crow
        t_d = c_dummy + mlp_d

        mmax_v = jnp.max(t, axis=1, keepdims=True)
        mmax = jnp.maximum(mmax_v, t_d)
        e = jnp.exp(t - mmax)
        se = dot(e, ones_col) + jnp.exp(t_d - mmax)
        point_lp = mmax + jnp.log(se)
        partial = partial + jnp.sum(point_lp)

        post_ref[i] = e * (1.0 / se)

        eq = (t == mmax_v).astype(f32)
        cnt = dot(eq, ut)
        onehot = eq * (cnt == 0.0).astype(f32)
        idx_col = dot(onehot, iota_col)

        idx_ref[i] = jnp.swapaxes(idx_col, 0, 1).astype(jnp.int32)
        ml_ref[i] = ml
        vp_ref[i] = (ml > c_dummy).astype(f32)
        mlp_ref[i] = jnp.concatenate(
            [mlp, jnp.full((1, 128), mlp_d, f32)], axis=1)

    @pl.when(step == 0)
    def _():
        lp_ref[0, 0] = partial

    @pl.when(step != 0)
    def _():
        lp_ref[0, 0] = lp_ref[0, 0] + partial


@jax.jit
def kernel(x, votes, scales, vote_presence_prob):
    B, P, d = x.shape
    V = votes.shape[1]
    f32 = jnp.float32
    nb = _BSUB

    out_shapes = (
        jax.ShapeDtypeStruct((1, 1), f32),
        jax.ShapeDtypeStruct((B, 1, V), f32),
        jax.ShapeDtypeStruct((B, 1, P), jnp.int32),
        jax.ShapeDtypeStruct((B, 1, V), f32),
        jax.ShapeDtypeStruct((B, 1, V + 128), f32),
        jax.ShapeDtypeStruct((B, P, V), f32),
    )
    grid = (B // nb,)
    outs = pl.pallas_call(
        _capsule_kernel,
        grid=grid,
        in_specs=[
            pl.BlockSpec((nb, P, d), lambda b: (b, 0, 0)),
            pl.BlockSpec((nb, V, d), lambda b: (b, 0, 0)),
            pl.BlockSpec((nb, 1, V), lambda b: (b, 0, 0)),
            pl.BlockSpec((nb, 1, V), lambda b: (b, 0, 0)),
        ],
        out_specs=(
            pl.BlockSpec((1, 1), lambda b: (0, 0), memory_space=pltpu.SMEM),
            pl.BlockSpec((nb, 1, V), lambda b: (b, 0, 0)),
            pl.BlockSpec((nb, 1, P), lambda b: (b, 0, 0)),
            pl.BlockSpec((nb, 1, V), lambda b: (b, 0, 0)),
            pl.BlockSpec((nb, 1, V + 128), lambda b: (b, 0, 0)),
            pl.BlockSpec((nb, P, V), lambda b: (b, 0, 0)),
        ),
        out_shape=out_shapes,
        compiler_params=pltpu.CompilerParams(
            dimension_semantics=("arbitrary",),
        ),
    )(x, votes.reshape(B, V, d), scales.reshape(B, 1, V),
      vote_presence_prob.reshape(B, 1, V))

    (lp, vote_presence, idx, ml_v, mlp_pack, posterior) = outs
    vote_presence = vote_presence.reshape(B, V)
    idx = idx.reshape(B, P)
    ml_v = ml_v.reshape(B, V)
    mlp_pack = mlp_pack.reshape(B, V + 128)

    per_w = (B * P) // (_NC * _NS)
    sc_gather = functools.partial(
        pl.kernel,
        mesh=plsc.VectorSubcoreMesh(core_axis_name="c", subcore_axis_name="s"),
        out_type=[
            jax.ShapeDtypeStruct((B * P, d), f32),
            jax.ShapeDtypeStruct((B * P,), f32),
        ],
        scratch_types=[
            pltpu.VMEM((per_w,), jnp.int32),
            pltpu.VMEM((per_w,), jnp.int32),
            pltpu.VMEM((per_w, d), f32),
            pltpu.VMEM((per_w,), f32),
            pltpu.SemaphoreType.DMA,
            pltpu.SemaphoreType.DMA,
        ],
        compiler_params=pltpu.CompilerParams(use_tc_tiling_on_sc=False),
    )(_sc_winner_gather)
    wv_flat, wp_flat = sc_gather(
        votes.reshape(B * V, d), vote_presence_prob.reshape(B * V),
        idx.reshape(B * P))
    winning_vote = wv_flat.reshape(B, P, d)
    winning_pres = wp_flat.reshape(B, P)

    c_dummy = jnp.full((B, 1), -2.0 * jnp.log(10.0), f32)
    mixing_logits = jnp.concatenate([ml_v, c_dummy], axis=1)
    mixing_log_prob = jnp.concatenate(
        [mlp_pack[:, :V], mlp_pack[:, V:V + 1]], axis=1)
    mixture_log_prob_per_batch = lp[0, 0]
    is_from_capsule = idx // V
    soft_winner = jnp.zeros_like(winning_vote)
    soft_winner_pres = jnp.zeros_like(winning_pres)
    return (mixture_log_prob_per_batch, vote_presence, winning_vote,
            winning_pres, is_from_capsule, mixing_logits, mixing_log_prob,
            soft_winner, soft_winner_pres, posterior)

# --- scband reference (transcript-rebuilt; emitter-appended) ---
"""Pipeline reference for scband-order-invariant-capsule-likelihood-27908697490038 (READ-ONLY COPY).

The authoritative reference and input builder live on the scoring server;
editing this copy changes nothing except your own understanding.
"""

import jax, jax.numpy as jnp
import numpy as np


def setup_inputs(seed: int = 0) -> dict:
    key = jax.random.key(seed)
    k1, k2, k3, k4 = jax.random.split(key, 4)
    B, P, V, d = 16, 512, 256, 32
    x = jax.random.normal(k1, (B, P, d), dtype=jnp.float32)
    votes = jax.random.normal(k2, (B, V, d), dtype=jnp.float32)
    scales = jax.random.uniform(k3, (B, V), dtype=jnp.float32, minval=0.5, maxval=1.5)
    vote_presence_prob = jax.random.uniform(k4, (B, V), dtype=jnp.float32, minval=0.05, maxval=0.95)
    return {"x": x, "votes": votes, "scales": scales, "vote_presence_prob": vote_presence_prob}


def reference(x, votes, scales, vote_presence_prob):
    B, P, d = x.shape
    V = votes.shape[1]
    n_votes = V
    # normal pdf with loc=expanded votes, scale=expanded scales
    expanded_votes = votes[:, None, :, :]          # [B,1,V,d]
    expanded_scale = scales[:, None, :, None]      # [B,1,V,1]
    expanded_x = x[:, :, None, :]                  # [B,P,1,d]
    z = (expanded_x - expanded_votes) / expanded_scale
    vote_log_prob_per_dim = -0.5 * z * z - jnp.log(expanded_scale) - 0.5 * jnp.log(2.0 * jnp.pi)
    vote_log_prob = jnp.sum(vote_log_prob_per_dim, axis=-1)  # [B,P,V]
    dummy_vote_log_prob = jnp.zeros((B, P, 1), dtype=jnp.float32) - 2.0 * jnp.log(10.0)
    vote_log_prob = jnp.concatenate([vote_log_prob, dummy_vote_log_prob], axis=2)  # [B,P,V+1]
    # safe_log of presence probs
    mixing_logits = jnp.log(vote_presence_prob + 1e-16)  # [B,V]
    dummy_logit = jnp.zeros((B, 1), dtype=jnp.float32) - 2.0 * jnp.log(10.0)
    mixing_logits = jnp.concatenate([mixing_logits, dummy_logit], axis=1)  # [B,V+1]
    mixing_log_prob = mixing_logits - jax.scipy.special.logsumexp(mixing_logits, axis=1, keepdims=True)
    expanded_mixing_logits = mixing_log_prob[:, None, :]  # [B,1,V+1]
    mixture_log_prob_per_component = jax.scipy.special.logsumexp(expanded_mixing_logits + vote_log_prob, axis=2)  # [B,P]
    mixture_log_prob_per_example = jnp.sum(mixture_log_prob_per_component, axis=1)
    mixture_log_prob_per_batch = jnp.sum(mixture_log_prob_per_example)
    posterior_mixing_logits_per_point = expanded_mixing_logits + vote_log_prob  # [B,P,V+1]
    winning_vote_idx = jnp.argmax(posterior_mixing_logits_per_point[:, :, :-1], axis=2)  # [B,P]
    winning_vote = jnp.take_along_axis(votes, winning_vote_idx[:, :, None], axis=1)  # [B,P,d]
    winning_pres = jnp.take_along_axis(vote_presence_prob, winning_vote_idx, axis=1)  # [B,P]
    vote_presence = (mixing_logits[:, :-1] > mixing_logits[:, -1:]).astype(jnp.float32)
    is_from_capsule = (winning_vote_idx // n_votes).astype(jnp.int32)
    posterior_mixing_probs = jax.nn.softmax(posterior_mixing_logits_per_point, axis=-1)[..., :-1]
    soft_winner = jnp.zeros_like(winning_vote)
    soft_winner_pres = jnp.zeros_like(winning_pres)
    return (mixture_log_prob_per_batch, vote_presence, winning_vote, winning_pres, is_from_capsule, mixing_logits, mixing_log_prob, soft_winner, soft_winner_pres, posterior_mixing_probs)

if __name__ == "__main__":
    import jax
    _d = setup_inputs()
    print(jax.jit(kernel)(*tuple(_d.values())))

</pallas_src>

<mosaic_0001>
#map = affine_map<(d0, d1) -> (0, 0)>
#map1 = affine_map<(d0, d1) -> (0)>
module attributes {stable_mosaic.version = 14 : i64} {
  func.func @_sc_winner_gather(%arg0: i32, %arg1: i32, %arg2: memref<4096x32xf32, #tpu.memory_space<hbm>>, %arg3: memref<4096xf32, #tpu.memory_space<hbm>>, %arg4: memref<8192xi32, #tpu.memory_space<hbm>>, %arg5: memref<8192x32xf32, #tpu.memory_space<hbm>>, %arg6: memref<8192xf32, #tpu.memory_space<hbm>>, %arg7: memref<256xi32, #tpu.memory_space<vmem>>, %arg8: memref<256xi32, #tpu.memory_space<vmem>>, %arg9: memref<256x32xf32, #tpu.memory_space<vmem>>, %arg10: memref<256xf32, #tpu.memory_space<vmem>>, %arg11: memref<!tpu.dma_semaphore, #tpu.memory_space<semaphore_mem>>, %arg12: memref<!tpu.dma_semaphore, #tpu.memory_space<semaphore_mem>>) attributes {dimension_semantics = [#tpu.dimension_semantics<core_parallel>, #tpu.dimension_semantics<subcore_parallel>], iteration_bounds = array<i64: 2, 16>, scalar_prefetch = 0 : i64, scratch_operands = 6 : i64, tpu.core_type = #tpu.core_type<sc_vector_subcore>, window_params = [{transform_indices = #map}, {transform_indices = #map1}, {transform_indices = #map1}, {transform_indices = #map}, {transform_indices = #map1}]} {
    %mul3A = arith.constant 2 : i32
    %mul3A_0 = arith.muli %arg1, %mul3A : i32
    %add3A = arith.addi %mul3A_0, %arg0 : i32
    %mul3A_1 = arith.constant 256 : i32
    %mul3A_2 = arith.muli %add3A, %mul3A_1 : i32
    "tpu.region"() ({
      %run_scoped3A = tpu.sem_alloc : memref<!tpu.dma_semaphore, #tpu.memory_space<semaphore_mem>>
      %dma_start3A_171 = tpu.memref_slice %arg4[%mul3A_2] : memref<8192xi32, #tpu.memory_space<hbm>> -> memref<256xi32, #tpu.memory_space<hbm>>
      %dma_start3A_172 = tpu.memref_slice %arg4[%mul3A_2] : memref<8192xi32, #tpu.memory_space<hbm>> -> memref<256xi32, #tpu.memory_space<hbm>>
      tpu.enqueue_dma source(%dma_start3A_172 : memref<256xi32, #tpu.memory_space<hbm>>) target(%arg7 : memref<256xi32, #tpu.memory_space<vmem>>) target_semaphore(%run_scoped3A : memref<!tpu.dma_semaphore, #tpu.memory_space<semaphore_mem>>)
      %dma_wait3A_173 = tpu.memref_slice %arg4[%mul3A_2] : memref<8192xi32, #tpu.memory_space<hbm>> -> memref<256xi32, #tpu.memory_space<hbm>>
      %dma_wait3A_174 = tpu.memref_slice %arg4[%mul3A_2] : memref<8192xi32, #tpu.memory_space<hbm>> -> memref<256xi32, #tpu.memory_space<hbm>>
      tpu.wait_dma2 semaphore(%run_scoped3A : memref<!tpu.dma_semaphore, #tpu.memory_space<semaphore_mem>>) src(%dma_wait3A_174 : memref<256xi32, #tpu.memory_space<hbm>>) dst(%arg7 : memref<256xi32, #tpu.memory_space<vmem>>)
      tpu.yield
    }) : () -> ()
    %jit3A = arith.constant 512 : i32
    %div3A = arith.divsi %mul3A_2, %jit3A : i32
    %sign3A = arith.constant 0 : i32
    %sign3A_3 = arith.cmpi sgt, %mul3A_2, %sign3A : i32
    %sign3A_4 = arith.extui %sign3A_3 : i1 to i32
    %sign3A_5 = arith.constant 0 : i32
    %sign3A_6 = arith.cmpi slt, %mul3A_2, %sign3A_5 : i32
    %sign3A_7 = arith.extui %sign3A_6 : i1 to i32
    %sign3A_8 = arith.subi %sign3A_4, %sign3A_7 : i32
    %sign3A_9 = arith.constant 0 : i32
    %sign3A_10 = arith.cmpi sgt, %jit3A, %sign3A_9 : i32
    %sign3A_11 = arith.extui %sign3A_10 : i1 to i32
    %sign3A_12 = arith.constant 0 : i32
    %sign3A_13 = arith.cmpi slt, %jit3A, %sign3A_12 : i32
    %sign3A_14 = arith.extui %sign3A_13 : i1 to i32
    %sign3A_15 = arith.subi %sign3A_11, %sign3A_14 : i32
    %ne3A = arith.cmpi ne, %sign3A_8, %sign3A_15 : i32
    %rem3A = arith.remsi %mul3A_2, %jit3A : i32
    %ne3A_16 = arith.constant 0 : i32
    %ne3A_17 = arith.cmpi ne, %rem3A, %ne3A_16 : i32
    %and3A = arith.andi %ne3A, %ne3A_17 : i1
    %sub3A = arith.constant 1 : i32
    %sub3A_18 = arith.subi %div3A, %sub3A : i32
    %select_n3A = arith.select %and3A, %sub3A_18, %div3A : i32
    %mul3A_19 = arith.constant 256 : i32
    %mul3A_20 = arith.muli %select_n3A, %mul3A_19 : i32
    %get3A = arith.constant 0 : index
    %get3A_21 = tpu.vector_load %arg7[%get3A] {strides = array<i32>} : memref<256xi32, #tpu.memory_space<vmem>>, vector<16xi32>,
    %get3A_22 = vector.shape_cast %get3A_21 : vector<16xi32> to vector<16xi32>
    %add3A_23 = vector.broadcast %mul3A_20 : i32 to vector<16xi32>
    %add3A_24 = arith.addi %get3A_22, %add3A_23 : vector<16xi32>
    %swap3A = arith.constant 0 : index
    %swap3A_25 = tpu.vector_load %arg8[%swap3A] {strides = array<i32>} : memref<256xi32, #tpu.memory_space<vmem>>, vector<16xi32>,
    %swap3A_26 = vector.shape_cast %swap3A_25 : vector<16xi32> to vector<16xi32>
    %swap3A_27 = vector.shape_cast %add3A_24 : vector<16xi32> to vector<16xi32>
    tpu.vector_store %arg8[%swap3A], %swap3A_27 {strides = array<i32>} : memref<256xi32, #tpu.memory_space<vmem>>, vector<16xi32>,
    %get3A_28 = arith.constant 16 : index
    %get3A_29 = tpu.vector_load %arg7[%get3A_28] {strides = array<i32>} : memref<256xi32, #tpu.memory_space<vmem>>, vector<16xi32>,
    %get3A_30 = vector.shape_cast %get3A_29 : vector<16xi32> to vector<16xi32>
    %add3A_31 = vector.broadcast %mul3A_20 : i32 to vector<16xi32>
    %add3A_32 = arith.addi %get3A_30, %add3A_31 : vector<16xi32>
    %swap3A_33 = arith.constant 16 : index
    %swap3A_34 = tpu.vector_load %arg8[%swap3A_33] {strides = array<i32>} : memref<256xi32, #tpu.memory_space<vmem>>, vector<16xi32>,
    %swap3A_35 = vector.shape_cast %swap3A_34 : vector<16xi32> to vector<16xi32>
    %swap3A_36 = vector.shape_cast %add3A_32 : vector<16xi32> to vector<16xi32>
    tpu.vector_store %arg8[%swap3A_33], %swap3A_36 {strides = array<i32>} : memref<256xi32, #tpu.memory_space<vmem>>, vector<16xi32>,
    %get3A_37 = arith.constant 32 : index
    %get3A_38 = tpu.vector_load %arg7[%get3A_37] {strides = array<i32>} : memref<256xi32, #tpu.memory_space<vmem>>, vector<16xi32>,
    %get3A_39 = vector.shape_cast %get3A_38 : vector<16xi32> to vector<16xi32>
    %add3A_40 = vector.broadcast %mul3A_20 : i32 to vector<16xi32>
    %add3A_41 = arith.addi %get3A_39, %add3A_40 : vector<16xi32>
    %swap3A_42 = arith.constant 32 : index
    %swap3A_43 = tpu.vector_load %arg8[%swap3A_42] {strides = array<i32>} : memref<256xi32, #tpu.memory_space<vmem>>, vector<16xi32>,
    %swap3A_44 = vector.shape_cast %swap3A_43 : vector<16xi32> to vector<16xi32>
    %swap3A_45 = vector.shape_cast %add3A_41 : vector<16xi32> to vector<16xi32>
    tpu.vector_store %arg8[%swap3A_42], %swap3A_45 {strides = array<i32>} : memref<256xi32, #tpu.memory_space<vmem>>, vector<16xi32>,
    %get3A_46 = arith.constant 48 : index
    %get3A_47 = tpu.vector_load %arg7[%get3A_46] {strides = array<i32>} : memref<256xi32, #tpu.memory_space<vmem>>, vector<16xi32>,
    %get3A_48 = vector.shape_cast %get3A_47 : vector<16xi32> to vector<16xi32>
    %add3A_49 = vector.broadcast %mul3A_20 : i32 to vector<16xi32>
    %add3A_50 = arith.addi %get3A_48, %add3A_49 : vector<16xi32>
    %swap3A_51 = arith.constant 48 : index
    %swap3A_52 = tpu.vector_load %arg8[%swap3A_51] {strides = array<i32>} : memref<256xi32, #tpu.memory_space<vmem>>, vector<16xi32>,
    %swap3A_53 = vector.shape_cast %swap3A_52 : vector<16xi32> to vector<16xi32>
    %swap3A_54 = vector.shape_cast %add3A_50 : vector<16xi32> to vector<16xi32>
    tpu.vector_store %arg8[%swap3A_51], %swap3A_54 {strides = array<i32>} : memref<256xi32, #tpu.memory_space<vmem>>, vector<16xi32>,
    %get3A_55 = arith.constant 64 : index
    %get3A_56 = tpu.vector_load %arg7[%get3A_55] {strides = array<i32>} : memref<256xi32, #tpu.memory_space<vmem>>, vector<16xi32>,
    %get3A_57 = vector.shape_cast %get3A_56 : vector<16xi32> to vector<16xi32>
    %add3A_58 = vector.broadcast %mul3A_20 : i32 to vector<16xi32>
    %add3A_59 = arith.addi %get3A_57, %add3A_58 : vector<16xi32>
    %swap3A_60 = arith.constant 64 : index
    %swap3A_61 = tpu.vector_load %arg8[%swap3A_60] {strides = array<i32>} : memref<256xi32, #tpu.memory_space<vmem>>, vector<16xi32>,
    %swap3A_62 = vector.shape_cast %swap3A_61 : vector<16xi32> to vector<16xi32>
    %swap3A_63 = vector.shape_cast %add3A_59 : vector<16xi32> to vector<16xi32>
    tpu.vector_store %arg8[%swap3A_60], %swap3A_63 {strides = array<i32>} : memref<256xi32, #tpu.memory_space<vmem>>, vector<16xi32>,
    %get3A_64 = arith.constant 80 : index
    %get3A_65 = tpu.vector_load %arg7[%get3A_64] {strides = array<i32>} : memref<256xi32, #tpu.memory_space<vmem>>, vector<16xi32>,
    %get3A_66 = vector.shape_cast %get3A_65 : vector<16xi32> to vector<16xi32>
    %add3A_67 = vector.broadcast %mul3A_20 : i32 to vector<16xi32>
    %add3A_68 = arith.addi %get3A_66, %add3A_67 : vector<16xi32>
    %swap3A_69 = arith.constant 80 : index
    %swap3A_70 = tpu.vector_load %arg8[%swap3A_69] {strides = array<i32>} : memref<256xi32, #tpu.memory_space<vmem>>, vector<16xi32>,
    %swap3A_71 = vector.shape_cast %swap3A_70 : vector<16xi32> to vector<16xi32>
    %swap3A_72 = vector.shape_cast %add3A_68 : vector<16xi32> to vector<16xi32>
    tpu.vector_store %arg8[%swap3A_69], %swap3A_72 {strides = array<i32>} : memref<256xi32, #tpu.memory_space<vmem>>, vector<16xi32>,
    %get3A_73 = arith.constant 96 : index
    %get3A_74 = tpu.vector_load %arg7[%get3A_73] {strides = array<i32>} : memref<256xi32, #tpu.memory_space<vmem>>, vector<16xi32>,
    %get3A_75 = vector.shape_cast %get3A_74 : vector<16xi32> to vector<16xi32>
    %add3A_76 = vector.broadcast %mul3A_20 : i32 to vector<16xi32>
    %add3A_77 = arith.addi %get3A_75, %add3A_76 : vector<16xi32>
    %swap3A_78 = arith.constant 96 : index
    %swap3A_79 = tpu.vector_load %arg8[%swap3A_78] {strides = array<i32>} : memref<256xi32, #tpu.memory_space<vmem>>, vector<16xi32>,
    %swap3A_80 = vector.shape_cast %swap3A_79 : vector<16xi32> to vector<16xi32>
    %swap3A_81 = vector.shape_cast %add3A_77 : vector<16xi32> to vector<16xi32>
    tpu.vector_store %arg8[%swap3A_78], %swap3A_81 {strides = array<i32>} : memref<256xi32, #tpu.memory_space<vmem>>, vector<16xi32>,
    %get3A_82 = arith.constant 112 : index
    %get3A_83 = tpu.vector_load %arg7[%get3A_82] {strides = array<i32>} : memref<256xi32, #tpu.memory_space<vmem>>, vector<16xi32>,
    %get3A_84 = vector.shape_cast %get3A_83 : vector<16xi32> to vector<16xi32>
    %add3A_85 = vector.broadcast %mul3A_20 : i32 to vector<16xi32>
    %add3A_86 = arith.addi %get3A_84, %add3A_85 : vector<16xi32>
    %swap3A_87 = arith.constant 112 : index
    %swap3A_88 = tpu.vector_load %arg8[%swap3A_87] {strides = array<i32>} : memref<256xi32, #tpu.memory_space<vmem>>, vector<16xi32>,
    %swap3A_89 = vector.shape_cast %swap3A_88 : vector<16xi32> to vector<16xi32>
    %swap3A_90 = vector.shape_cast %add3A_86 : vector<16xi32> to vector<16xi32>
    tpu.vector_store %arg8[%swap3A_87], %swap3A_90 {strides = array<i32>} : memref<256xi32, #tpu.memory_space<vmem>>, vector<16xi32>,
    %get3A_91 = arith.constant 128 : index
    %get3A_92 = tpu.vector_load %arg7[%get3A_91] {strides = array<i32>} : memref<256xi32, #tpu.memory_space<vmem>>, vector<16xi32>,
    %get3A_93 = vector.shape_cast %get3A_92 : vector<16xi32> to vector<16xi32>
    %add3A_94 = vector.broadcast %mul3A_20 : i32 to vector<16xi32>
    %add3A_95 = arith.addi %get3A_93, %add3A_94 : vector<16xi32>
    %swap3A_96 = arith.constant 128 : index
    %swap3A_97 = tpu.vector_load %arg8[%swap3A_96] {strides = array<i32>} : memref<256xi32, #tpu.memory_space<vmem>>, vector<16xi32>,
    %swap3A_98 = vector.shape_cast %swap3A_97 : vector<16xi32> to vector<16xi32>
    %swap3A_99 = vector.shape_cast %add3A_95 : vector<16xi32> to vector<16xi32>
    tpu.vector_store %arg8[%swap3A_96], %swap3A_99 {strides = array<i32>} : memref<256xi32, #tpu.memory_space<vmem>>, vector<16xi32>,
    %get3A_100 = arith.constant 144 : index
    %get3A_101 = tpu.vector_load %arg7[%get3A_100] {strides = array<i32>} : memref<256xi32, #tpu.memory_space<vmem>>, vector<16xi32>,
    %get3A_102 = vector.shape_cast %get3A_101 : vector<16xi32> to vector<16xi32>
    %add3A_103 = vector.broadcast %mul3A_20 : i32 to vector<16xi32>
    %add3A_104 = arith.addi %get3A_102, %add3A_103 : vector<16xi32>
    %swap3A_105 = arith.constant 144 : index
    %swap3A_106 = tpu.vector_load %arg8[%swap3A_105] {strides = array<i32>} : memref<256xi32, #tpu.memory_space<vmem>>, vector<16xi32>,
    %swap3A_107 = vector.shape_cast %swap3A_106 : vector<16xi32> to vector<16xi32>
    %swap3A_108 = vector.shape_cast %add3A_104 : vector<16xi32> to vector<16xi32>
    tpu.vector_store %arg8[%swap3A_105], %swap3A_108 {strides = array<i32>} : memref<256xi32, #tpu.memory_space<vmem>>, vector<16xi32>,
    %get3A_109 = arith.constant 160 : index
    %get3A_110 = tpu.vector_load %arg7[%get3A_109] {strides = array<i32>} : memref<256xi32, #tpu.memory_space<vmem>>, vector<16xi32>,
    %get3A_111 = vector.shape_cast %get3A_110 : vector<16xi32> to vector<16xi32>
    %add3A_112 = vector.broadcast %mul3A_20 : i32 to vector<16xi32>
    %add3A_113 = arith.addi %get3A_111, %add3A_112 : vector<16xi32>
    %swap3A_114 = arith.constant 160 : index
    %swap3A_115 = tpu.vector_load %arg8[%swap3A_114] {strides = array<i32>} : memref<256xi32, #tpu.memory_space<vmem>>, vector<16xi32>,
    %swap3A_116 = vector.shape_cast %swap3A_115 : vector<16xi32> to vector<16xi32>
    %swap3A_117 = vector.shape_cast %add3A_113 : vector<16xi32> to vector<16xi32>
    tpu.vector_store %arg8[%swap3A_114], %swap3A_117 {strides = array<i32>} : memref<256xi32, #tpu.memory_space<vmem>>, vector<16xi32>,
    %get3A_118 = arith.constant 176 : index
    %get3A_119 = tpu.vector_load %arg7[%get3A_118] {strides = array<i32>} : memref<256xi32, #tpu.memory_space<vmem>>, vector<16xi32>,
    %get3A_120 = vector.shape_cast %get3A_119 : vector<16xi32> to vector<16xi32>
    %add3A_121 = vector.broadcast %mul3A_20 : i32 to vector<16xi32>
    %add3A_122 = arith.addi %get3A_120, %add3A_121 : vector<16xi32>
    %swap3A_123 = arith.constant 176 : index
    %swap3A_124 = tpu.vector_load %arg8[%swap3A_123] {strides = array<i32>} : memref<256xi32, #tpu.memory_space<vmem>>, vector<16xi32>,
    %swap3A_125 = vector.shape_cast %swap3A_124 : vector<16xi32> to vector<16xi32>
    %swap3A_126 = vector.shape_cast %add3A_122 : vector<16xi32> to vector<16xi32>
    tpu.vector_store %arg8[%swap3A_123], %swap3A_126 {strides = array<i32>} : memref<256xi32, #tpu.memory_space<vmem>>, vector<16xi32>,
    %get3A_127 = arith.constant 192 : index
    %get3A_128 = tpu.vector_load %arg7[%get3A_127] {strides = array<i32>} : memref<256xi32, #tpu.memory_space<vmem>>, vector<16xi32>,
    %get3A_129 = vector.shape_cast %get3A_128 : vector<16xi32> to vector<16xi32>
    %add3A_130 = vector.broadcast %mul3A_20 : i32 to vector<16xi32>
    %add3A_131 = arith.addi %get3A_129, %add3A_130 : vector<16xi32>
    %swap3A_132 = arith.constant 192 : index
    %swap3A_133 = tpu.vector_load %arg8[%swap3A_132] {strides = array<i32>} : memref<256xi32, #tpu.memory_space<vmem>>, vector<16xi32>,
    %swap3A_134 = vector.shape_cast %swap3A_133 : vector<16xi32> to vector<16xi32>
    %swap3A_135 = vector.shape_cast %add3A_131 : vector<16xi32> to vector<16xi32>
    tpu.vector_store %arg8[%swap3A_132], %swap3A_135 {strides = array<i32>} : memref<256xi32, #tpu.memory_space<vmem>>, vector<16xi32>,
    %get3A_136 = arith.constant 208 : index
    %get3A_137 = tpu.vector_load %arg7[%get3A_136] {strides = array<i32>} : memref<256xi32, #tpu.memory_space<vmem>>, vector<16xi32>,
    %get3A_138 = vector.shape_cast %get3A_137 : vector<16xi32> to vector<16xi32>
    %add3A_139 = vector.broadcast %mul3A_20 : i32 to vector<16xi32>
    %add3A_140 = arith.addi %get3A_138, %add3A_139 : vector<16xi32>
    %swap3A_141 = arith.constant 208 : index
    %swap3A_142 = tpu.vector_load %arg8[%swap3A_141] {strides = array<i32>} : memref<256xi32, #tpu.memory_space<vmem>>, vector<16xi32>,
    %swap3A_143 = vector.shape_cast %swap3A_142 : vector<16xi32> to vector<16xi32>
    %swap3A_144 = vector.shape_cast %add3A_140 : vector<16xi32> to vector<16xi32>
    tpu.vector_store %arg8[%swap3A_141], %swap3A_144 {strides = array<i32>} : memref<256xi32, #tpu.memory_space<vmem>>, vector<16xi32>,
    %get3A_145 = arith.constant 224 : index
    %get3A_146 = tpu.vector_load %arg7[%get3A_145] {strides = array<i32>} : memref<256xi32, #tpu.memory_space<vmem>>, vector<16xi32>,
    %get3A_147 = vector.shape_cast %get3A_146 : vector<16xi32> to vector<16xi32>
    %add3A_148 = vector.broadcast %mul3A_20 : i32 to vector<16xi32>
    %add3A_149 = arith.addi %get3A_147, %add3A_148 : vector<16xi32>
    %swap3A_150 = arith.constant 224 : index
    %swap3A_151 = tpu.vector_load %arg8[%swap3A_150] {strides = array<i32>} : memref<256xi32, #tpu.memory_space<vmem>>, vector<16xi32>,
    %swap3A_152 = vector.shape_cast %swap3A_151 : vector<16xi32> to vector<16xi32>
    %swap3A_153 = vector.shape_cast %add3A_149 : vector<16xi32> to vector<16xi32>
    tpu.vector_store %arg8[%swap3A_150], %swap3A_153 {strides = array<i32>} : memref<256xi32, #tpu.memory_space<vmem>>, vector<16xi32>,
    %get3A_154 = arith.constant 240 : index
    %get3A_155 = tpu.vector_load %arg7[%get3A_154] {strides = array<i32>} : memref<256xi32, #tpu.memory_space<vmem>>, vector<16xi32>,
    %get3A_156 = vector.shape_cast %get3A_155 : vector<16xi32> to vector<16xi32>
    %add3A_157 = vector.broadcast %mul3A_20 : i32 to vector<16xi32>
    %add3A_158 = arith.addi %get3A_156, %add3A_157 : vector<16xi32>
    %swap3A_159 = arith.constant 240 : index
    %swap3A_160 = tpu.vector_load %arg8[%swap3A_159] {strides = array<i32>} : memref<256xi32, #tpu.memory_space<vmem>>, vector<16xi32>,
    %swap3A_161 = vector.shape_cast %swap3A_160 : vector<16xi32> to vector<16xi32>
    %swap3A_162 = vector.shape_cast %add3A_158 : vector<16xi32> to vector<16xi32>
    tpu.vector_store %arg8[%swap3A_159], %swap3A_162 {strides = array<i32>} : memref<256xi32, #tpu.memory_space<vmem>>, vector<16xi32>,
    %dma_start3A = arith.constant 0 : i32
    %dma_start3A_163 = arith.constant 0 : i32
    %dma_start3A_164 = tpu.memref_slice %arg2[%dma_start3A, %dma_start3A_163] : memref<4096x32xf32, #tpu.memory_space<hbm>> -> memref<4096x32xf32, #tpu.memory_space<hbm>>
    tpu.enqueue_indirect_dma source(%dma_start3A_164 : memref<4096x32xf32, #tpu.memory_space<hbm>>) target(%arg9 : memref<256x32xf32, #tpu.memory_space<vmem>>) offsets(%arg8 : memref<256xi32, #tpu.memory_space<vmem>>) semaphore(%arg11 : memref<!tpu.dma_semaphore, #tpu.memory_space<semaphore_mem>>)
    %dma_start3A_165 = arith.constant 0 : i32
    %dma_start3A_166 = tpu.memref_slice %arg3[%dma_start3A_165] : memref<4096xf32, #tpu.memory_space<hbm>> -> memref<4096xf32, #tpu.memory_space<hbm>>
    tpu.enqueue_indirect_dma source(%dma_start3A_166 : memref<4096xf32, #tpu.memory_space<hbm>>) target(%arg10 : memref<256xf32, #tpu.memory_space<vmem>>) offsets(%arg8 : memref<256xi32, #tpu.memory_space<vmem>>) semaphore(%arg12 : memref<!tpu.dma_semaphore, #tpu.memory_space<semaphore_mem>>)
    %dma_wait3A = arith.constant 0 : i32
    %dma_wait3A_167 = arith.constant 0 : i32
    %dma_wait3A_168 = tpu.memref_slice %arg2[%dma_wait3A, %dma_wait3A_167] : memref<4096x32xf32, #tpu.memory_space<hbm>> -> memref<4096x32xf32, #tpu.memory_space<hbm>>
    tpu.wait_indirect_dma semaphore(%arg11 : memref<!tpu.dma_semaphore, #tpu.memory_space<semaphore_mem>>) src(%dma_wait3A_168 : memref<4096x32xf32, #tpu.memory_space<hbm>>) dst(%arg9 : memref<256x32xf32, #tpu.memory_space<vmem>>)
    %dma_wait3A_169 = arith.constant 0 : i32
    %dma_wait3A_170 = tpu.memref_slice %arg3[%dma_wait3A_169] : memref<4096xf32, #tpu.memory_space<hbm>> -> memref<4096xf32, #tpu.memory_space<hbm>>
    tpu.wait_indirect_dma semaphore(%arg12 : memref<!tpu.dma_semaphore, #tpu.memory_space<semaphore_mem>>) src(%dma_wait3A_170 : memref<4096xf32, #tpu.memory_space<hbm>>) dst(%arg10 : memref<256xf32, #tpu.memory_space<vmem>>)
    "tpu.region"() ({
      %run_scoped3A = tpu.sem_alloc : memref<!tpu.dma_semaphore, #tpu.memory_space<semaphore_mem>>
      %dma_start3A_171 = arith.constant 0 : i32
      %dma_start3A_172 = tpu.memref_slice %arg5[%mul3A_2, %dma_start3A_171] : memref<8192x32xf32, #tpu.memory_space<hbm>> -> memref<256x32xf32, #tpu.memory_space<hbm>>
      %dma_start3A_173 = arith.constant 0 : i32
      %dma_start3A_174 = tpu.memref_slice %arg5[%mul3A_2, %dma_start3A_173] : memref<8192x32xf32, #tpu.memory_space<hbm>> -> memref<256x32xf32, #tpu.memory_space<hbm>>
      tpu.enqueue_dma source(%arg9 : memref<256x32xf32, #tpu.memory_space<vmem>>) target(%dma_start3A_174 : memref<256x32xf32, #tpu.memory_space<hbm>>) target_semaphore(%run_scoped3A : memref<!tpu.dma_semaphore, #tpu.memory_space<semaphore_mem>>)
      %dma_wait3A_175 = arith.constant 0 : i32
      %dma_wait3A_176 = tpu.memref_slice %arg5[%mul3A_2, %dma_wait3A_175] : memref<8192x32xf32, #tpu.memory_space<hbm>> -> memref<256x32xf32, #tpu.memory_space<hbm>>
      %dma_wait3A_177 = arith.constant 0 : i32
      %dma_wait3A_178 = tpu.memref_slice %arg5[%mul3A_2, %dma_wait3A_177] : memref<8192x32xf32, #tpu.memory_space<hbm>> -> memref<256x32xf32, #tpu.memory_space<hbm>>
      tpu.wait_dma2 semaphore(%run_scoped3A : memref<!tpu.dma_semaphore, #tpu.memory_space<semaphore_mem>>) src(%arg9 : memref<256x32xf32, #tpu.memory_space<vmem>>) dst(%dma_wait3A_178 : memref<256x32xf32, #tpu.memory_space<hbm>>)
      tpu.yield
    }) : () -> ()
    "tpu.region"() ({
      %run_scoped3A = tpu.sem_alloc : memref<!tpu.dma_semaphore, #tpu.memory_space<semaphore_mem>>
      %dma_start3A_171 = tpu.memref_slice %arg6[%mul3A_2] : memref<8192xf32, #tpu.memory_space<hbm>> -> memref<256xf32, #tpu.memory_space<hbm>>
      %dma_start3A_172 = tpu.memref_slice %arg6[%mul3A_2] : memref<8192xf32, #tpu.memory_space<hbm>> -> memref<256xf32, #tpu.memory_space<hbm>>
      tpu.enqueue_dma source(%arg10 : memref<256xf32, #tpu.memory_space<vmem>>) target(%dma_start3A_172 : memref<256xf32, #tpu.memory_space<hbm>>) target_semaphore(%run_scoped3A : memref<!tpu.dma_semaphore, #tpu.memory_space<semaphore_mem>>)
      %dma_wait3A_173 = tpu.memref_slice %arg6[%mul3A_2] : memref<8192xf32, #tpu.memory_space<hbm>> -> memref<256xf32, #tpu.memory_space<hbm>>
      %dma_wait3A_174 = tpu.memref_slice %arg6[%mul3A_2] : memref<8192xf32, #tpu.memory_space<hbm>> -> memref<256xf32, #tpu.memory_space<hbm>>
      tpu.wait_dma2 semaphore(%run_scoped3A : memref<!tpu.dma_semaphore, #tpu.memory_space<semaphore_mem>>) src(%arg10 : memref<256xf32, #tpu.memory_space<vmem>>) dst(%dma_wait3A_174 : memref<256xf32, #tpu.memory_space<hbm>>)
      tpu.yield
    }) : () -> ()
    return
  }
}

module attributes {stable_mosaic.version = 14 : i64} {
  func.func @_capsule_kernel(%arg0: i32, %arg1: memref<1x512x32xf32, #tpu.memory_space<vmem>>, %arg2: memref<1x256x32xf32, #tpu.memory_space<vmem>>, %arg3: memref<1x1x256xf32, #tpu.memory_space<vmem>>, %arg4: memref<1x1x256xf32, #tpu.memory_space<vmem>>, %arg5: memref<1x1xf32, #tpu.memory_space<smem>>, %arg6: memref<1x1x256xf32, #tpu.memory_space<vmem>>, %arg7: memref<1x1x512xi32, #tpu.memory_space<vmem>>, %arg8: memref<1x1x256xf32, #tpu.memory_space<vmem>>, %arg9: memref<1x1x384xf32, #tpu.memory_space<vmem>>, %arg10: memref<1x512x256xf32, #tpu.memory_space<vmem>>) attributes {dimension_semantics = [#tpu.dimension_semantics<arbitrary>], iteration_bounds = array<i64: 16>, scalar_prefetch = 0 : i64, scratch_operands = 0 : i64, tpu.core_type = #tpu.core_type<tc>, window_params = [{transform_indices = @transform_0, window_bounds = array<i64: 1, 512, 32>}, {transform_indices = @transform_1, window_bounds = array<i64: 1, 256, 32>}, {transform_indices = @transform_2, window_bounds = array<i64: 1, 1, 256>}, {transform_indices = @transform_3, window_bounds = array<i64: 1, 1, 256>}, {transform_indices = @transform_4, window_bounds = array<i64: 1, 1>}, {transform_indices = @transform_5, window_bounds = array<i64: 1, 1, 256>}, {transform_indices = @transform_6, window_bounds = array<i64: 1, 1, 512>}, {transform_indices = @transform_7, window_bounds = array<i64: 1, 1, 256>}, {transform_indices = @transform_8, window_bounds = array<i64: 1, 1, 384>}, {transform_indices = @transform_9, window_bounds = array<i64: 1, 512, 256>}]} {
    %log3A = arith.constant 1.000000e+01 : f32
    %log3A_0 = math.log %log3A : f32
    %mul3A = arith.constant -2.000000e+00 : f32
    %mul3A_1 = arith.mulf %mul3A, %log3A_0 : f32
    %log3A_2 = arith.constant 6.28318548 : f32
    %log3A_3 = math.log %log3A_2 : f32
    %broadcast_in_dim3A = arith.constant 1.000000e+00 : f32
    %broadcast_in_dim3A_4 = vector.broadcast %broadcast_in_dim3A : f32 to vector<256x1xf32>
    %iota3A = tpu.iota {dimensions = array<i32: 0>} : vector<256x256xi32>
    %iota3A_5 = tpu.iota {dimensions = array<i32: 1>} : vector<256x256xi32>
    %lt3A = arith.cmpi slt, %iota3A, %iota3A_5 : vector<256x256xi32>
    %convert_element_type3A = arith.extui %lt3A : vector<256x256xi1> to vector<256x256xi32>
    %convert_element_type3A_6 = arith.sitofp %convert_element_type3A : vector<256x256xi32> to vector<256x256xf32>
    %iota3A_7 = tpu.iota {dimensions = array<i32: 0>} : vector<256x1xi32>
    %convert_element_type3A_8 = arith.sitofp %iota3A_7 : vector<256x1xi32> to vector<256x1xf32>
    %get3A = arith.constant 0 : index
    %get3A_9 = arith.constant 0 : index
    %get3A_10 = arith.constant 0 : index
    %get3A_11 = vector.load %arg1[%get3A, %get3A_9, %get3A_10] : memref<1x512x32xf32, #tpu.memory_space<vmem>>, vector<1x512x32xf32>
    %get3A_12 = vector.shape_cast %get3A_11 : vector<1x512x32xf32> to vector<512x32xf32>
    %get3A_13 = arith.constant 0 : index
    %get3A_14 = arith.constant 0 : index
    %get3A_15 = arith.constant 0 : index
    %get3A_16 = vector.load %arg2[%get3A_13, %get3A_14, %get3A_15] : memref<1x256x32xf32, #tpu.memory_space<vmem>>, vector<1x256x32xf32>
    %get3A_17 = vector.shape_cast %get3A_16 : vector<1x256x32xf32> to vector<256x32xf32>
    %get3A_18 = arith.constant 0 : index
    %get3A_19 = arith.constant 0 : index
    %get3A_20 = arith.constant 0 : index
    %get3A_21 = vector.load %arg3[%get3A_18, %get3A_19, %get3A_20] : memref<1x1x256xf32, #tpu.memory_space<vmem>>, vector<1x1x256xf32>
    %get3A_22 = vector.shape_cast %get3A_21 : vector<1x1x256xf32> to vector<1x256xf32>
    %get3A_23 = arith.constant 0 : index
    %get3A_24 = arith.constant 0 : index
    %get3A_25 = arith.constant 0 : index
    %get3A_26 = vector.load %arg4[%get3A_23, %get3A_24, %get3A_25] : memref<1x1x256xf32, #tpu.memory_space<vmem>>, vector<1x1x256xf32>
    %get3A_27 = vector.shape_cast %get3A_26 : vector<1x1x256xf32> to vector<1x256xf32>
    %mul3A_28 = arith.mulf %get3A_12, %get3A_12 : vector<512x32xf32>
    %reduce_sum3A = arith.constant dense<0.000000e+00> : vector<512xf32>
    %reduce_sum3A_29 = vector.multi_reduction <add>, %mul3A_28, %reduce_sum3A [1] : vector<512x32xf32> to vector<512xf32>
    %broadcast_in_dim3A_30 = vector.shape_cast %reduce_sum3A_29 : vector<512xf32> to vector<512x1xf32>
    %broadcast_in_dim3A_31 = arith.constant 1.000000e+00 : f32
    %broadcast_in_dim3A_32 = vector.broadcast %broadcast_in_dim3A_31 : f32 to vector<1x32xf32>
    %mul3A_33 = arith.mulf %get3A_17, %get3A_17 : vector<256x32xf32>
    %dot_general3A = arith.constant dense<0.000000e+00> : vector<1x256xf32>
    %dot_general3A_34 = tpu.matmul %broadcast_in_dim3A_32, %mul3A_33, %dot_general3A {dimension_numbers = #tpu.dot_dimension_numbers<[1], [1], [0], [0], [0, 0, 1, 0], [], []>, precision = #tpu.contract_precision<fp32>, transpose_lhs_hint = false} : vector<1x32xf32>, vector<256x32xf32>, vector<1x256xf32> -> vector<1x256xf32>
    %dot_general3A_35 = arith.constant dense<0.000000e+00> : vector<512x256xf32>
    %dot_general3A_36 = tpu.matmul %get3A_12, %get3A_17, %dot_general3A_35 {dimension_numbers = #tpu.dot_dimension_numbers<[1], [1], [0], [0], [0, 0, 1, 0], [], []>, precision = #tpu.contract_precision<fp32>, transpose_lhs_hint = false} : vector<512x32xf32>, vector<256x32xf32>, vector<512x256xf32> -> vector<512x256xf32>
    %add3A = arith.constant 1.000000e-16 : f32
    %add3A_37 = vector.broadcast %add3A : f32 to vector<1x256xf32>
    %add3A_38 = arith.addf %get3A_27, %add3A_37 : vector<1x256xf32>
    %log3A_39 = math.log %add3A_38 : vector<1x256xf32>
    %reduce_max3A = vector.shape_cast %log3A_39 : vector<1x256xf32> to vector<1x1x256xf32>
    %reduce_max3A_40 = arith.constant dense<0xFF800000> : vector<1xf32>
    %reduce_max3A_41 = vector.multi_reduction <maximumf>, %reduce_max3A, %reduce_max3A_40 [1, 2] : vector<1x1x256xf32> to vector<1xf32>
    %reduce_max3A_42 = vector.shape_cast %reduce_max3A_41 : vector<1xf32> to vector<1x1x1xf32>
    %reduce_max3A_43 = vector.extract %reduce_max3A_42[0, 0, 0] : f32 from vector<1x1x1xf32>
    %max3A = arith.maximumf %reduce_max3A_43, %mul3A_1 : f32
    %sub3A = vector.broadcast %max3A : f32 to vector<1x256xf32>
    %sub3A_44 = arith.subf %log3A_39, %sub3A : vector<1x256xf32>
    %exp3A = math.exp %sub3A_44 : vector<1x256xf32>
    %reduce_sum3A_45 = vector.shape_cast %exp3A : vector<1x256xf32> to vector<1x1x256xf32>
    %reduce_sum3A_46 = arith.constant dense<0.000000e+00> : vector<1xf32>
    %reduce_sum3A_47 = vector.multi_reduction <add>, %reduce_sum3A_45, %reduce_sum3A_46 [1, 2] : vector<1x1x256xf32> to vector<1xf32>
    %reduce_sum3A_48 = vector.shape_cast %reduce_sum3A_47 : vector<1xf32> to vector<1x1x1xf32>
    %reduce_sum3A_49 = vector.extract %reduce_sum3A_48[0, 0, 0] : f32 from vector<1x1x1xf32>
    %sub3A_50 = arith.subf %mul3A_1, %max3A : f32
    %exp3A_51 = math.exp %sub3A_50 : f32
    %add3A_52 = arith.addf %reduce_sum3A_49, %exp3A_51 : f32
    %log3A_53 = math.log %add3A_52 : f32
    %add3A_54 = arith.addf %max3A, %log3A_53 : f32
    %sub3A_55 = vector.broadcast %add3A_54 : f32 to vector<1x256xf32>
    %sub3A_56 = arith.subf %log3A_39, %sub3A_55 : vector<1x256xf32>
    %sub3A_57 = arith.subf %mul3A_1, %add3A_54 : f32
    %log3A_58 = math.log %get3A_22 : vector<1x256xf32>
    %mul3A_59 = arith.mulf %get3A_22, %get3A_22 : vector<1x256xf32>
    %div3A = arith.constant -5.000000e-01 : f32
    %div3A_60 = vector.broadcast %div3A : f32 to vector<1x256xf32>
    %div3A_61 = arith.divf %div3A_60, %mul3A_59 : vector<1x256xf32>
    %mul3A_62 = arith.constant 3.200000e+01 : f32
    %mul3A_63 = vector.broadcast %mul3A_62 : f32 to vector<1x256xf32>
    %mul3A_64 = arith.mulf %mul3A_63, %log3A_58 : vector<1x256xf32>
    %sub3A_65 = arith.subf %sub3A_56, %mul3A_64 : vector<1x256xf32>
    %mul3A_66 = arith.constant 1.600000e+01 : f32
    %mul3A_67 = arith.mulf %mul3A_66, %log3A_3 : f32
    %sub3A_68 = vector.broadcast %mul3A_67 : f32 to vector<1x256xf32>
    %sub3A_69 = arith.subf %sub3A_65, %sub3A_68 : vector<1x256xf32>
    %mul3A_70 = arith.constant 2.000000e+00 : f32
    %mul3A_71 = vector.broadcast %mul3A_70 : f32 to vector<512x256xf32>
    %mul3A_72 = arith.mulf %mul3A_71, %dot_general3A_36 : vector<512x256xf32>
    %sub3A_73 = vector.broadcast %broadcast_in_dim3A_30 : vector<512x1xf32> to vector<512x256xf32>
    %sub3A_74 = arith.subf %sub3A_73, %mul3A_72 : vector<512x256xf32>
    %add3A_75 = vector.broadcast %dot_general3A_34 : vector<1x256xf32> to vector<512x256xf32>
    %add3A_76 = arith.addf %sub3A_74, %add3A_75 : vector<512x256xf32>
    %mul3A_77 = vector.broadcast %div3A_61 : vector<1x256xf32> to vector<512x256xf32>
    %mul3A_78 = arith.mulf %add3A_76, %mul3A_77 : vector<512x256xf32>
    %add3A_79 = vector.broadcast %sub3A_69 : vector<1x256xf32> to vector<512x256xf32>
    %add3A_80 = arith.addf %mul3A_78, %add3A_79 : vector<512x256xf32>
    %add3A_81 = arith.addf %mul3A_1, %sub3A_57 : f32
    %reduce_max3A_82 = arith.constant dense<0xFF800000> : vector<512xf32>
    %reduce_max3A_83 = vector.multi_reduction <maximumf>, %add3A_80, %reduce_max3A_82 [1] : vector<512x256xf32> to vector<512xf32>
    %broadcast_in_dim3A_84 = vector.shape_cast %reduce_max3A_83 : vector<512xf32> to vector<512x1xf32>
    %max3A_85 = vector.broadcast %add3A_81 : f32 to vector<512x1xf32>
    %max3A_86 = arith.maximumf %broadcast_in_dim3A_84, %max3A_85 : vector<512x1xf32>
    %sub3A_87 = vector.broadcast %max3A_86 : vector<512x1xf32> to vector<512x256xf32>
    %sub3A_88 = arith.subf %add3A_80, %sub3A_87 : vector<512x256xf32>
    %exp3A_89 = math.exp %sub3A_88 : vector<512x256xf32>
    %dot_general3A_90 = arith.constant dense<0.000000e+00> : vector<512x1xf32>
    %dot_general3A_91 = tpu.matmul %exp3A_89, %broadcast_in_dim3A_4, %dot_general3A_90 {dimension_numbers = #tpu.dot_dimension_numbers<[1], [0], [0], [1], [0, 0, 1, 1], [], []>, transpose_lhs_hint = false} : vector<512x256xf32>, vector<256x1xf32>, vector<512x1xf32> -> vector<512x1xf32>
    %sub3A_92 = vector.broadcast %add3A_81 : f32 to vector<512x1xf32>
    %sub3A_93 = arith.subf %sub3A_92, %max3A_86 : vector<512x1xf32>
    %exp3A_94 = math.exp %sub3A_93 : vector<512x1xf32>
    %add3A_95 = arith.addf %dot_general3A_91, %exp3A_94 : vector<512x1xf32>
    %log3A_96 = math.log %add3A_95 : vector<512x1xf32>
    %add3A_97 = arith.addf %max3A_86, %log3A_96 : vector<512x1xf32>
    %reduce_sum3A_98 = vector.shape_cast %add3A_97 : vector<512x1xf32> to vector<1x512x1xf32>
    %reduce_sum3A_99 = arith.constant dense<0.000000e+00> : vector<1xf32>
    %reduce_sum3A_100 = vector.multi_reduction <add>, %reduce_sum3A_98, %reduce_sum3A_99 [1, 2] : vector<1x512x1xf32> to vector<1xf32>
    %reduce_sum3A_101 = vector.shape_cast %reduce_sum3A_100 : vector<1xf32> to vector<1x1x1xf32>
    %reduce_sum3A_102 = vector.extract %reduce_sum3A_101[0, 0, 0] : f32 from vector<1x1x1xf32>
    %add3A_103 = arith.constant 0.000000e+00 : f32
    %add3A_104 = arith.addf %add3A_103, %reduce_sum3A_102 : f32
    %div3A_105 = arith.constant 1.000000e+00 : f32
    %div3A_106 = vector.broadcast %div3A_105 : f32 to vector<512x1xf32>
    %div3A_107 = arith.divf %div3A_106, %add3A_95 : vector<512x1xf32>
    %mul3A_108 = vector.broadcast %div3A_107 : vector<512x1xf32> to vector<512x256xf32>
    %mul3A_109 = arith.mulf %exp3A_89, %mul3A_108 : vector<512x256xf32>
    %swap3A = arith.constant 0 : index
    %swap3A_110 = arith.constant 0 : index
    %swap3A_111 = arith.constant 0 : index
    %swap3A_112 = vector.load %arg10[%swap3A, %swap3A_110, %swap3A_111] : memref<1x512x256xf32, #tpu.memory_space<vmem>>, vector<1x512x256xf32>
    %swap3A_113 = vector.shape_cast %swap3A_112 : vector<1x512x256xf32> to vector<512x256xf32>
    %swap3A_114 = vector.shape_cast %mul3A_109 : vector<512x256xf32> to vector<1x512x256xf32>
    tpu.vector_store %arg10[%swap3A, %swap3A_110, %swap3A_111], %swap3A_114 {strides = array<i32>} : memref<1x512x256xf32, #tpu.memory_space<vmem>>, vector<1x512x256xf32>,
    %eq3A = vector.broadcast %broadcast_in_dim3A_84 : vector<512x1xf32> to vector<512x256xf32>
    %eq3A_115 = arith.cmpf oeq, %add3A_80, %eq3A : vector<512x256xf32>
    %convert_element_type3A_116 = arith.extui %eq3A_115 : vector<512x256xi1> to vector<512x256xi32>
    %convert_element_type3A_117 = arith.sitofp %convert_element_type3A_116 : vector<512x256xi32> to vector<512x256xf32>
    %dot_general3A_118 = arith.constant dense<0.000000e+00> : vector<512x256xf32>
    %dot_general3A_119 = tpu.matmul %convert_element_type3A_117, %convert_element_type3A_6, %dot_general3A_118 {dimension_numbers = #tpu.dot_dimension_numbers<[1], [0], [0], [1], [0, 0, 1, 1], [], []>, transpose_lhs_hint = false} : vector<512x256xf32>, vector<256x256xf32>, vector<512x256xf32> -> vector<512x256xf32>
    %eq3A_120 = arith.constant 0.000000e+00 : f32
    %eq3A_121 = vector.broadcast %eq3A_120 : f32 to vector<512x256xf32>
    %eq3A_122 = arith.cmpf oeq, %dot_general3A_119, %eq3A_121 : vector<512x256xf32>
    %convert_element_type3A_123 = arith.extui %eq3A_122 : vector<512x256xi1> to vector<512x256xi32>
    %convert_element_type3A_124 = arith.sitofp %convert_element_type3A_123 : vector<512x256xi32> to vector<512x256xf32>
    %mul3A_125 = arith.mulf %convert_element_type3A_117, %convert_element_type3A_124 : vector<512x256xf32>
    %dot_general3A_126 = arith.constant dense<0.000000e+00> : vector<512x1xf32>
    %dot_general3A_127 = tpu.matmul %mul3A_125, %convert_element_type3A_8, %dot_general3A_126 {dimension_numbers = #tpu.dot_dimension_numbers<[1], [0], [0], [1], [0, 0, 1, 1], [], []>, transpose_lhs_hint = false} : vector<512x256xf32>, vector<256x1xf32>, vector<512x1xf32> -> vector<512x1xf32>
    %transpose3A = tpu.transpose %dot_general3A_127, [1, 0] : vector<512x1xf32> -> vector<1x512xf32>
    %convert_element_type3A_128 = arith.fptosi %transpose3A : vector<1x512xf32> to vector<1x512xi32>
    %swap3A_129 = arith.constant 0 : index
    %swap3A_130 = arith.constant 0 : index
    %swap3A_131 = arith.constant 0 : index
    %swap3A_132 = vector.load %arg7[%swap3A_129, %swap3A_130, %swap3A_131] : memref<1x1x512xi32, #tpu.memory_space<vmem>>, vector<1x1x512xi32>
    %swap3A_133 = vector.shape_cast %swap3A_132 : vector<1x1x512xi32> to vector<1x512xi32>
    %swap3A_134 = vector.shape_cast %convert_element_type3A_128 : vector<1x512xi32> to vector<1x1x512xi32>
    tpu.vector_store %arg7[%swap3A_129, %swap3A_130, %swap3A_131], %swap3A_134 {strides = array<i32>} : memref<1x1x512xi32, #tpu.memory_space<vmem>>, vector<1x1x512xi32>,
    %swap3A_135 = arith.constant 0 : index
    %swap3A_136 = arith.constant 0 : index
    %swap3A_137 = arith.constant 0 : index
    %swap3A_138 = vector.load %arg8[%swap3A_135, %swap3A_136, %swap3A_137] : memref<1x1x256xf32, #tpu.memory_space<vmem>>, vector<1x1x256xf32>
    %swap3A_139 = vector.shape_cast %swap3A_138 : vector<1x1x256xf32> to vector<1x256xf32>
    %swap3A_140 = vector.shape_cast %log3A_39 : vector<1x256xf32> to vector<1x1x256xf32>
    tpu.vector_store %arg8[%swap3A_135, %swap3A_136, %swap3A_137], %swap3A_140 {strides = array<i32>} : memref<1x1x256xf32, #tpu.memory_space<vmem>>, vector<1x1x256xf32>,
    %gt3A = vector.broadcast %mul3A_1 : f32 to vector<1x256xf32>
    %gt3A_141 = arith.cmpf ogt, %log3A_39, %gt3A : vector<1x256xf32>
    %convert_element_type3A_142 = arith.extui %gt3A_141 : vector<1x256xi1> to vector<1x256xi32>
    %convert_element_type3A_143 = arith.sitofp %convert_element_type3A_142 : vector<1x256xi32> to vector<1x256xf32>
    %swap3A_144 = arith.constant 0 : index
    %swap3A_145 = arith.constant 0 : index
    %swap3A_146 = arith.constant 0 : index
    %swap3A_147 = vector.load %arg6[%swap3A_144, %swap3A_145, %swap3A_146] : memref<1x1x256xf32, #tpu.memory_space<vmem>>, vector<1x1x256xf32>
    %swap3A_148 = vector.shape_cast %swap3A_147 : vector<1x1x256xf32> to vector<1x256xf32>
    %swap3A_149 = vector.shape_cast %convert_element_type3A_143 : vector<1x256xf32> to vector<1x1x256xf32>
    tpu.vector_store %arg6[%swap3A_144, %swap3A_145, %swap3A_146], %swap3A_149 {strides = array<i32>} : memref<1x1x256xf32, #tpu.memory_space<vmem>>, vector<1x1x256xf32>,
    %broadcast_in_dim3A_150 = vector.broadcast %sub3A_57 : f32 to vector<1x128xf32>
    %concatenate3A = tpu.concatenate %sub3A_56, %broadcast_in_dim3A_150 in 1 : vector<1x256xf32>, vector<1x128xf32> -> vector<1x384xf32>
    %swap3A_151 = arith.constant 0 : index
    %swap3A_152 = arith.constant 0 : index
    %swap3A_153 = arith.constant 0 : index
    %swap3A_154 = vector.load %arg9[%swap3A_151, %swap3A_152, %swap3A_153] : memref<1x1x384xf32, #tpu.memory_space<vmem>>, vector<1x1x384xf32>
    %swap3A_155 = vector.shape_cast %swap3A_154 : vector<1x1x384xf32> to vector<1x384xf32>
    %swap3A_156 = vector.shape_cast %concatenate3A : vector<1x384xf32> to vector<1x1x384xf32>
    tpu.vector_store %arg9[%swap3A_151, %swap3A_152, %swap3A_153], %swap3A_156 {strides = array<i32>} : memref<1x1x384xf32, #tpu.memory_space<vmem>>, vector<1x1x384xf32>,
    %eq3A_157 = arith.constant 0 : i32
    %eq3A_158 = arith.cmpi eq, %arg0, %eq3A_157 : i32
    %convert_element_type3A_159 = arith.extui %eq3A_158 : i1 to i32
    %cond3A = arith.constant 0 : i32
    %cond3A_160 = arith.cmpi ne, %convert_element_type3A_159, %cond3A : i32
    scf.if %cond3A_160 {
      %swap3A_165 = arith.constant 0 : index
      %swap3A_166 = arith.constant 0 : index
      %swap3A_167 = memref.load %arg5[%swap3A_165, %swap3A_166] : memref<1x1xf32, #tpu.memory_space<smem>>
      memref.store %add3A_104, %arg5[%swap3A_165, %swap3A_166] : memref<1x1xf32, #tpu.memory_space<smem>>
    } else {
    }
    %ne3A = arith.constant 0 : i32
    %ne3A_161 = arith.cmpi ne, %arg0, %ne3A : i32
    %convert_element_type3A_162 = arith.extui %ne3A_161 : i1 to i32
    %cond3A_163 = arith.constant 0 : i32
    %cond3A_164 = arith.cmpi ne, %convert_element_type3A_162, %cond3A_163 : i32
    scf.if %cond3A_164 {
      %get3A_165 = arith.constant 0 : index
      %get3A_166 = arith.constant 0 : index
      %get3A_167 = memref.load %arg5[%get3A_165, %get3A_166] : memref<1x1xf32, #tpu.memory_space<smem>>
      %add3A_168 = arith.addf %get3A_167, %add3A_104 : f32
      %swap3A_169 = arith.constant 0 : index
      %swap3A_170 = arith.constant 0 : index
      %swap3A_171 = memref.load %arg5[%swap3A_169, %swap3A_170] : memref<1x1xf32, #tpu.memory_space<smem>>
      memref.store %add3A_168, %arg5[%swap3A_169, %swap3A_170] : memref<1x1xf32, #tpu.memory_space<smem>>
    } else {
    }
    return
  }
  func.func @transform_0(%arg0: i32) -> (i32, i32, i32) {
    %c0_i32 = arith.constant 0 : i32
    %c0_i32_0 = arith.constant 0 : i32
    %c0_i32_1 = arith.constant 0 : i32
    return %arg0, %c0_i32, %c0_i32_0 : i32, i32, i32
  }
  func.func @transform_1(%arg0: i32) -> (i32, i32, i32) {
    %c0_i32 = arith.constant 0 : i32
    %c0_i32_0 = arith.constant 0 : i32
    %c0_i32_1 = arith.constant 0 : i32
    return %arg0, %c0_i32, %c0_i32_0 : i32, i32, i32
  }
  func.func @transform_2(%arg0: i32) -> (i32, i32, i32) {
    %c0_i32 = arith.constant 0 : i32
    %c0_i32_0 = arith.constant 0 : i32
    %c0_i32_1 = arith.constant 0 : i32
    return %arg0, %c0_i32, %c0_i32_0 : i32, i32, i32
  }
  func.func @transform_3(%arg0: i32) -> (i32, i32, i32) {
    %c0_i32 = arith.constant 0 : i32
    %c0_i32_0 = arith.constant 0 : i32
    %c0_i32_1 = arith.constant 0 : i32
    return %arg0, %c0_i32, %c0_i32_0 : i32, i32, i32
  }
  func.func @transform_4(%arg0: i32) -> (i32, i32) {
    %c0_i32 = arith.constant 0 : i32
    %c0_i32_0 = arith.constant 0 : i32
    %c0_i32_1 = arith.constant 0 : i32
    return %c0_i32, %c0_i32_0 : i32, i32
  }
  func.func @transform_5(%arg0: i32) -> (i32, i32, i32) {
    %c0_i32 = arith.constant 0 : i32
    %c0_i32_0 = arith.constant 0 : i32
    %c0_i32_1 = arith.constant 0 : i32
    return %arg0, %c0_i32, %c0_i32_0 : i32, i32, i32
  }
  func.func @transform_6(%arg0: i32) -> (i32, i32, i32) {
    %c0_i32 = arith.constant 0 : i32
    %c0_i32_0 = arith.constant 0 : i32
    %c0_i32_1 = arith.constant 0 : i32
    return %arg0, %c0_i32, %c0_i32_0 : i32, i32, i32
  }
  func.func @transform_7(%arg0: i32) -> (i32, i32, i32) {
    %c0_i32 = arith.constant 0 : i32
    %c0_i32_0 = arith.constant 0 : i32
    %c0_i32_1 = arith.constant 0 : i32
    return %arg0, %c0_i32, %c0_i32_0 : i32, i32, i32
  }
  func.func @transform_8(%arg0: i32) -> (i32, i32, i32) {
    %c0_i32 = arith.constant 0 : i32
    %c0_i32_0 = arith.constant 0 : i32
    %c0_i32_1 = arith.constant 0 : i32
    return %arg0, %c0_i32, %c0_i32_0 : i32, i32, i32
  }
  func.func @transform_9(%arg0: i32) -> (i32, i32, i32) {
    %c0_i32 = arith.constant 0 : i32
    %c0_i32_0 = arith.constant 0 : i32
    %c0_i32_1 = arith.constant 0 : i32
    return %arg0, %c0_i32, %c0_i32_0 : i32, i32, i32
  }
}

</mosaic_0001>

<sc_bundles>
// kernel: kernel.4.cloned.1.call-start
scs
__scs_entry_jumppad:
0x0: {  	(pc) =	sbr.rel $0x88, $3  }
0x1: {  	(tag) =	ssettag $0x0;
	lr =	simm.s32 $0x1  }
0x2: {  	[smem:$0x3F9D] =	sst lr;
	_ =	strace $0xD0000000  }
0x3: {  	_ = 	snop  }
0x4: {  	_ = 	snop  }
0x5: {  	_ = 	snop  }
0x6: {  	_ = 	snop  }
0x7: {  	_ = 	snop  }
__scs_overlays_trampoline_lowered:
0x8: {  	[smem:$0x3FAC] =	sst s0  }
0x9: {  	[smem:$0x3FAD] =	sst s1  }
0xa: {  	[smem:$0x3FAE] =	sst s2  }
0xb: {  	[smem:$0x3FAF] =	sst s3  }
0xc: {  	[smem:$0x3FB0] =	sst s4  }
0xd: {  	[smem:$0x3FB1] =	sst s5  }
0xe: {  	[smem:$0x3FB2] =	sst s6  }
0xf: {  	[smem:$0x3FB3] =	sst s7  }
0x10: {  	[smem:$0x3FB4] =	sst s8  }
0x11: {  	[smem:$0x3FB5] =	sst s9;
	s0 =	simm.s32 @!p0 $0x0  }
0x12: {  	s1 =	sld [smem:$0x3F9B];
	s0 =	simm.s32 @p0 $0x1  }
0x13: {  	[smem:$0x3FB6] =	sst s0;
	s0 =	simm.s32 @!p1 $0x0  }
0x14: {  	s2 =	sld [smem:$0x3F9A];
	s0 =	simm.s32 @p1 $0x1  }
0x15: {  	[smem:$0x3FB7] =	sst s0;
	s0 =	simm.s32 @!p2 $0x0  }
0x16: {  	s3 =	sld [smem:$0x3FDB];
	s0 =	simm.s32 @p2 $0x1  }
0x17: {  	s4 =	simm.s32 $0x1BF5;
	[smem:$0x3FB9] =	sst s0  }
0x18: {  	s0 =	sld [smem:$0x3F9C];
	_ =	swait.ge [sflag:s4], $0x0  }
0x19: {  	s7 =	sld [smem:$0x3F9D]  }
0x1a: {  	s8 =	sadd.s32 $0xFFFFE003, lr  }
0x1b: {  	s9 =	sadd.s32 $0xFFFFFEF7, lr;
	s5 =	simm.s32 $0xFFFFFFFF;
	p2 =	slt.u32 s8, $0xFFFFF086  }
0x1c: {  	p1 =	slt.u32 s9, $0xF7A;
	s5 =	simm.s32 @!p2 $0x0  }
0x1d: {  	s5 =	simm.s32 @p1 $0x1;
	p0 =	seq.s32 s7, s2  }
0x1e: {  	s7 =	smul.u32 @!p0 $0xF7A, s2;
	p2 =	seq.s32 @!p0 s5, $0x0  }
0x1f: {  	s9 =	smul.u32 $0xF7A, s1;
	s8 =	simm.s32 @!p0 $0x1BF5;
	p2 =	por !p2, p0  }
0x20: {  	[sflag:s8] =	ssyncset.s32 @!p0 $0xFFFFF086;
	s6 =	sadd.s32 @!p0 s3, s7;
	s7 =	simm.s32 @!p0 $0x108  }
0x21: {  	s3 =	sadd.s32 s3, s9;
	s6 =	sadd.s32 @!p0 $0x88, s6;
	s7 =	simm.s32 @p2 $0x1082  }
0x22: {  	[simem:s7], [sflag:s8] =	dma.local @!p0 [hbm:s6], $0xF7A  }
0x23: {  	s9 =	sor.u32 $0xD0000000, s2;
	s6 =	simm.s32 $0x108;
	_ =	swait.ge @!p0 [sflag:s8], $0x0  }
0x24: {  	s3 =	sadd.s32 $0x88, s3;
	s6 =	simm.s32 @!p1 $0x1082;
	[sflag:s4] =	ssyncset.s32 $0xFFFFF086  }
0x25: {  	[simem:s6], [sflag:s4] =	dma.local [hbm:s3], $0xF7A  }
0x26: {  	[smem:$0x3F9D] =	sst s1;
	(tag) =	ssettag s2;
	_ =	strace s9  }
0x27: {  	s1 =	sld [smem:$0x3FAD]  }
0x28: {  	s2 =	sld [smem:$0x3FAE]  }
0x29: {  	s4 =	sld [smem:$0x3FB0]  }
0x2a: {  	p0 =	seq.s32 s5, $0x0;
	s5 =	sld [smem:$0x3FB1]  }
0x2b: {  	s6 =	sld [smem:$0x3FB2]  }
0x2c: {  	s7 =	sld [smem:$0x3FB3]  }
0x2d: {  	s3 =	simm.s32 $0x108;
	s8 =	sld [smem:$0x3FB4]  }
0x2e: {  	s3 =	simm.s32 @!p0 $0x1082;
	s9 =	sld [smem:$0x3FB5]  }
0x2f: {  	lr =	sadd.s32 s0, s3;
	s0 =	sld [smem:$0x3FAC]  }
0x30: {  	s3 =	sld [smem:$0x3FAF]  }
0x31: {  	[smem:$0x3FB8] =	sst s10  }
0x32: {  	s10 =	sld [smem:$0x3FB6];
	_ =	sdelay $0x3  }
0x33: {  	p0 =	seq.s32 s10, $0x1;
	s10 =	sld [smem:$0x3FB8];
	_ =	sdelay $0x3  }
0x34: {  	[smem:$0x3FB8] =	sst s10  }
0x35: {  	s10 =	sld [smem:$0x3FB7];
	_ =	sdelay $0x3  }
0x36: {  	p1 =	seq.s32 s10, $0x1;
	s10 =	sld [smem:$0x3FB8];
	_ =	sdelay $0x3  }
0x37: {  	[smem:$0x3FB8] =	sst s10  }
0x38: {  	s10 =	sld [smem:$0x3FB9]  }
0x39: {  	_ = 	snop;
	(pc) =	sbr.ind lr, $3  }
0x3a: {  	_ = 	snop  }
0x3b: {  	_ = 	snop  }
0x3c: {  	p2 =	seq.s32 s10, $0x1;
	s10 =	sld [smem:$0x3FB8]  }
0x3d: {  	_ =	shalt  }
0x3e: {  	_ =	shalt  }
0x3f: {  	_ =	shalt  }
0x40: {  	_ =	shalt  }
0x41: {  	_ =	shalt  }
0x42: {  	_ =	shalt  }
0x43: {  	_ =	shalt  }
0x44: {  	_ =	shalt  }
0x45: {  	_ =	shalt  }
0x46: {  	_ =	shalt  }
0x47: {  	_ =	shalt  }
0x48: {  	_ =	shalt  }
0x49: {  	_ =	shalt  }
0x4a: {  	_ =	shalt  }
0x4b: {  	_ =	shalt  }
0x4c: {  	_ =	shalt  }
0x4d: {  	_ =	shalt  }
0x4e: {  	_ =	shalt  }
0x4f: {  	_ =	shalt  }
0x50: {  	_ =	shalt  }
0x51: {  	_ =	shalt  }
0x52: {  	_ =	shalt  }
0x53: {  	_ =	shalt  }
0x54: {  	_ =	shalt  }
0x55: {  	_ =	shalt  }
0x56: {  	_ =	shalt  }
0x57: {  	_ =	shalt  }
0x58: {  	_ =	shalt  }
0x59: {  	_ =	shalt  }
0x5a: {  	_ =	shalt  }
0x5b: {  	_ =	shalt  }
0x5c: {  	_ =	shalt  }
0x5d: {  	_ =	shalt  }
0x5e: {  	_ =	shalt  }
0x5f: {  	_ =	shalt  }
0x60: {  	_ =	shalt  }
0x61: {  	_ =	shalt  }
0x62: {  	_ =	shalt  }
0x63: {  	_ =	shalt  }
0x64: {  	_ =	shalt  }
0x65: {  	_ =	shalt  }
0x66: {  	_ =	shalt  }
0x67: {  	_ =	shalt  }
0x68: {  	_ =	shalt  }
0x69: {  	_ =	shalt  }
0x6a: {  	_ =	shalt  }
0x6b: {  	_ =	shalt  }
0x6c: {  	_ =	shalt  }
0x6d: {  	_ =	shalt  }
0x6e: {  	_ =	shalt  }
0x6f: {  	_ =	shalt  }
0x70: {  	_ =	shalt  }
0x71: {  	_ =	shalt  }
0x72: {  	_ =	shalt  }
0x73: {  	_ =	shalt  }
0x74: {  	_ =	shalt  }
0x75: {  	_ =	shalt  }
0x76: {  	_ =	shalt  }
0x77: {  	_ =	shalt  }
0x78: {  	_ =	shalt  }
0x79: {  	_ =	shalt  }
0x7a: {  	_ =	shalt  }
0x7b: {  	_ =	shalt  }
0x7c: {  	_ =	shalt  }
0x7d: {  	_ =	shalt  }
0x7e: {  	_ =	shalt  }
0x7f: {  	_ =	shalt  }
0x80: {  	_ =	shalt  }
0x81: {  	_ =	shalt  }
0x82: {  	_ =	shalt  }
0x83: {  	_ =	shalt  }
0x84: {  	_ =	shalt  }
0x85: {  	_ =	shalt  }
0x86: {  	_ =	shalt  }
0x87: {  	_ =	shalt  }
.Lfunc_end0:
.L_simem_size_0:
called_computation_lowered:
.L_overlay_start_0:
0x88: {  	s2 =	sld [smem:$0x3FD9]  }
0x89: {  	s3 =	sld [smem:$0x3FFE];
	_ =	sdelay $0x1  }
0x8a: {  	s1 =	srdreg.scid  }
0x8b: {  	s0 =	sand.u32 $0x1, s1  }
0x8c: {  	s14 =	sshll.u32 s0, $0xA;
	s2 =	sadd.s32 s3, s2  }
0x8d: {  	s2 =	sadd.s32 s2, s14  }
0x8e: {  	[smem:$0x3FC4] =	sst s2  }
0x8f: {  	_ = 	snop  }
0x90: {  	s2 =	sld [smem:$0x3FD0];
	_ =	sdelay $0x2  }
0x91: {  	s15 =	simm.s32 $0xA;
	s4 =	simm.s32 $0x10  }
0x92: {  	[smem:s4], [sflag:s15] =	dma.local [hbm:s2], $0x1  }
0x93: {  	_ =	swait.eq [sflag:s15], $0x1  }
0x94: {  	s5 =	sld [smem:$0x12];
	[sflag:s15] =	ssyncset.done $0x0  }
0x95: {  	s6 =	sld [smem:$0x13];
	[sflag:s15] =	ssyncadd.s32 $0xFFFFFFFF  }
0x96: {  	s2 =	sadd.s32 $0x1, s2;
	s7 =	sld [smem:$0x17]  }
0x97: {  	[smem:s4], [sflag:s15] =	dma.local [hbm:s2], $0x1  }
0x98: {  	_ =	swait.eq [sflag:s15], $0x1  }
0x99: {  	[sflag:s15] =	ssyncset.done $0x0  }
0x9a: {  	[sflag:s15] =	ssyncadd.s32 $0xFFFFFFFF  }
0x9b: {  	s16 =	sld [smem:$0x10];
	(tm) =	ssettm $0x1  }
0x9c: {  	s17 =	sld [smem:$0x3FFB];
	_ =	sdelay $0x3  }
0x9d: {  	_ =	strace s17  }
0x9e: {  	s3 =	sld [smem:$0x3FFC];
	_ =	sdelay $0x3  }
0x9f: {  	_ =	strace s3  }
0xa0: {  	s3 =	sld [smem:$0x3FFD];
	_ =	sdelay $0x3  }
0xa1: {  	_ =	strace s3  }
0xa2: {  	_ =	strace $0x8FFFFFFF  }
0xa3: {  	s18 =	sld [smem:$0x3FDB];
	_ =	sdelay $0x1  }
0xa4: {  	s19 =	simm.s32 $_scs_section_size  }
0xa5: {  	s8 =	simm.s32 $_size__tile_overlayer_lowered;
	s9 =	simm.s32 $_tile_overlayer_lowered  }
0xa6: {  	s22 =	simm.s32 $0x1BFF;
	s21 =	sshll.u32 s9, $0x1;
	s3 =	sadd.s32 s19, s18  }
0xa7: {  	s10 =	simm.s32 $0x0;
	s20 =	sshll.u32 s8, $0x1;
	s8 =	sadd.s32 s21, s3  }
0xa8: {  	[timem:s10], [sflag:s22] =	dma.local [hbm:s8], s20  }
0xa9: {  	_ =	swait.ge [sflag:s22], s20  }
0xaa: {  	s4 =	ssub.s32 $0x0, s20;
	[sflag:s22] =	ssyncset.done $0x0  }
0xab: {  	[sflag:s22] =	ssyncadd.s32 s4;
	_ =	sdelay $0x1  }
0xac: {  	s23 =	simm.s32 $0x1B8B  }
0xad: {  	_ =	swait.ge [sflag:s23], $0x1  }
0xae: {  	[sflag:s23] =	ssyncset.done $0x0  }
0xaf: {  	s25 =	simm.s32 $0x1B8E;
	s24 =	sld [smem:$0x3FFE];
	[sflag:s23] =	ssyncadd.s32 $0xFFFFFFFF  }
0xb0: {  	s26 =	simm.s32 $execute0_lowered;
	[smem:$0x3FD2] =	sst s25  }
0xb1: {  	s8 =	sshll.u32 s26, $0x1;
	_ =	strace $0x80000046;
	[dreg:$0x1] =	wrdreg $0xFFFFFFFF  }
0xb2: {  	s28 =	simm.s32 $_size_execute0_lowered;
	s3 =	sadd.s32 s3, s8;
	[dreg:$0x0] =	wrdreg $0x0  }
0xb3: {  	s8 =	sshll.u32 s28, $0x1;
	[dreg:$0x2] =	wrdreg s3  }
0xb4: {  	[dreg:$0x3] =	wrdreg s8  }
0xb5: {  	[dreg:$0x4] =	wrdreg $0xC0  }
0xb6: {  	_ =	task [dreg:s10], $0x5FFFF  }
0xb7: {  	[dreg:$0x1] =	wrdreg $0xFFFFFFFF  }
0xb8: {  	[dreg:$0x0] =	wrdreg $0x60  }
0xb9: {  	[dreg:$0x2] =	wrdreg s5  }
0xba: {  	[dreg:$0x3] =	wrdreg s24  }
0xbb: {  	[dreg:$0x4] =	wrdreg s16  }
0xbc: {  	[dreg:$0x5] =	wrdreg s7  }
0xbd: {  	[dreg:$0x6] =	wrdreg s6  }
0xbe: {  	[dreg:$0x7] =	wrdreg $0x9  }
0xbf: {  	_ =	task.clear_ibuf [dreg:s10], $0x8FFFF;
	_ =	strace $0x90000046  }
0xc0: {  	s29 =	simm.s32 $0x9;
	_ =	strace $0x80000048  }
0xc1: {  	_ =	swait.ge [sflag:s29], $0x1  }
0xc2: {  	[sflag:s29] =	ssyncadd.s32 $0xFFFFFFFF  }
0xc3: {  	_ =	strace $0x90000048  }
0xc4: {  	_ =	sfence  }
0xc5: {  	s30 =	sld [smem:$0x0];
	_ =	sdelay $0x2  }
0xc6: {  	s31 =	sshll.u32 s1, $0xD;
	s1 =	sshrl.u32 s1, $0x2  }
0xc7: {  	s3 =	sand.u32 $0x4000, s31;
	s1 =	sadd.s32 s1, s30  }
0xc8: {  	s0 =	sor.u32 s3, s0;
	s1 =	sshll.u32 s1, $0x11  }
0xc9: {  	s0 =	sor.u32 s1, s0  }
0xca: {  	s0 =	sadd.s32 $0x8F2B, s0  }
0xcb: {  	[sflag:s0] =	ssyncadd.remote.s32 $0x1  }
0xcc: {  	_ =	sfence.sel $0xFFFF  }
0xcd: {  	[dreg:$0x0] =	wrdreg $0xFFFFFFFF;
	(pc) =	sbr.abs _section_cstart, $3  }
0xce: {  	[dreg:$0x1] =	wrdreg $0xFFFFFFFF  }
0xcf: {  	_ =	task.clear_ibuf [dreg:s10], $0x2FFFF;
	_ =	strace $0x9FFFFFFF  }
0xd0: {  	(tm) =	ssettm $0x7FFFFFFF  }
0xd1: {  	_ =	shalt  }
tec
execute0_lowered:
.L_overlay_start_1:
0x0: {  	(tag) =	ssettag $0x1  }
0x1: {  	s3 =	rddreg [dreg:$0x0]  }
0x2: {  	s6 =	rddreg [dreg:$0x1]  }
0x3: {  	s4 =	rddreg [dreg:$0x2];
	s1 =	srdreg.scid  }
0x4: {  	s8 =	rddreg [dreg:$0x3];
	s0 =	stileid.u32;
	s7 =	sand.u32 $0x1, s1  }
0x5: {  	s10 =	rddreg [dreg:$0x4];
	s5 =	sshll.u32 s0, $0x9;
	s9 =	sshll.u32 s7, $0x8  }
0x6: {  	s2 =	simm.s32 $0x0;
	s1 =	rddreg [dreg:$0x5];
	s9 =	sor.u32 s9, s5  }
0x7: {  	[smem:$0x7FF] =	sst s2;
	s13 =	sshrl.u32 s9, $0x3  }
0x8: {  	_ =	strace $0x80000047;
	s5 =	sadd.s32 s4, s13;
	s4 =	simm.s32 $0x3  }
0x9: {  	[tilespmem:s2], [sflag:$0x3] =	stream.linear.gather [hbm4b:s5+s2], $0x100, $0x38;
	[tilespmem:$0x2300] =	vst v63  }
0xa: {  	_ =	swait.ge [sflag:s4], $0x100  }
0xb: {  	[sflag:s4] =	ssyncset.done $0x0  }
0xc: {  	p1 =	seq.s32 s7, $0x1;
	p0 =	seq.s32 s9, $0x0;
	[sflag:s4] =	ssyncadd.s32 $0xFFFFFF00  }
0xd: {  	p0 =	por !p0, !p1;
	v1 =	vld [tilespmem:$0xF0]  }
0xe: {  	s11 =	simm.s32 $0x1;
	p0 =	por !p0, !p0;
	v2 =	vld [tilespmem:$0x30]  }
0xf: {  	s11 =	simm.s32 @!p0 $0x0;
	v3 =	vld [tilespmem:$0xE0]  }
0x10: {  	s11 =	ssub.s32 s0, s11;
	v4 =	vld [tilespmem:$0xC0]  }
0x11: {  	s11 =	sshll.u32 s11, $0x8;
	v5 =	vld [tilespmem:$0xB0]  }
0x12: {  	v0 =	vmov s11;
	v6 =	vld [tilespmem:$0xA0]  }
0x13: {  	v1 =	vadd.s32 v0, v1  }
0x14: {  	v7 =	vld [tilespmem:$0x90];
	v2 =	vadd.s32 v0, v2;
	[tilespmem:$0x1F0] =	vst v1  }
0x15: {  	v62 =	vld [tilespmem:$0x20];
	v4 =	vadd.s32 v0, v4;
	[tilespmem:$0x130] =	vst v2  }
0x16: {  	v5 =	vadd.s32 v0, v5;
	v1 =	vld [tilespmem:$0x80];
	[tilespmem:$0x1C0] =	vst v4  }
0x17: {  	v6 =	vadd.s32 v0, v6;
	v2 =	vadd.s32 v0, v3;
	v3 =	vld [tilespmem:$0x70];
	[tilespmem:$0x1B0] =	vst v5  }
0x18: {  	v59 =	vld [tilespmem:$0x50];
	[tilespmem:$0x1A0] =	vst v6  }
0x19: {  	v7 =	vadd.s32 v0, v7;
	[tilespmem:$0x1E0] =	vst v2;
	v2 =	vld [tilespmem:$0x60]  }
0x1a: {  	v60 =	vld [tilespmem:$0x40];
	v63 =	vadd.s32 v0, v62;
	[tilespmem:$0x190] =	vst v7  }
0x1b: {  	s7 =	ssub.s32 $0x2, s7;
	v61 =	vld [tilespmem:$0xD0];
	[tilespmem:$0x120] =	vst v63;
	v1 =	vadd.s32 v0, v1  }
0x1c: {  	s31 =	sshrl.u32 s7, $0x1;
	v3 =	vadd.s32 v0, v3;
	[tilespmem:$0x180] =	vst v1;
	v1 =	vld [tilespmem:$0x10]  }
0x1d: {  	s11 =	ssub.s32 s7, s31;
	v4 =	vadd.s32 v0, v59;
	[tilespmem:$0x170] =	vst v3;
	v3 =	vld [tilespmem:$0x0]  }
0x1e: {  	s15 =	smax.u32 s11, $0x1;
	[tilespmem:$0x150] =	vst v4;
	v2 =	vadd.s32 v0, v2  }
0x1f: {  	p0 =	sne.s32 s15, $0x1;
	[tilespmem:$0x160] =	vst v2;
	v2 =	vadd.s32 v0, v60  }
.Ltmp0:
0x20: {  	s12 =	simm.s32 $0x100;
	[tilespmem:$0x140] =	vst v2;
	v2 =	vadd.s32 v0, v61;
	(pc) =	sbr.rel @!p0 .LBB2_2-.Ltmp0, $4  }
0x21: {  	s6 =	sadd.s32 $0x1400, s6;
	s14 =	sshll.u32 s9, $0x2;
	s9 =	simm.s32 $0x200;
	[tilespmem:$0x1D0] =	vst v2;
	v1 =	vadd.s32 v0, v1  }
0x22: {  	s7 =	simm.s32 $0x1;
	s11 =	sadd.s32 s8, s14;
	s8 =	sadd.s32 s10, s13;
	v2 =	vadd.s32 v0, v3;
	[tilespmem:$0x110] =	vst v1  }
0x23: {  	s10 =	simm.s32 $0x2200;
	s13 =	simm.s32 $0x2;
	s14 =	sadd.s32 $0xFFFFFFFF, s15;
	[tilespmem:$0x100] =	vst v2  }
0x24: {  	[tilespmem:s9], [sflag:$0x1] =	stream.indirect.gather [hbm4b:s3+s12], $0x20, s12, s12, $0xb8;
	[tilespmem:$0x2300] =	vst v63  }
.LBB2_1:
0x25: {  	p0 =	sne.s32 s14, $0x1;
	s14 =	sadd.s32 $0xFFFFFFFF, s14  }
0x26: {  	[tilespmem:s10], [sflag:$0x2] =	stream.indirect.gather [hbm4b:s6+s12], $0x1, s12, s12, $0xb8;
	[tilespmem:$0x2300] =	vst v63  }
0x27: {  	_ =	swait.ge [sflag:s7], $0x2000  }
0x28: {  	[sflag:s7] =	ssyncset.done $0x0  }
0x29: {  	[sflag:s7] =	ssyncadd.s32 $0xFFFFE000  }
0x2a: {  	_ =	swait.ge [sflag:s13], $0x100  }
0x2b: {  	[sflag:s13] =	ssyncset.done $0x0  }
0x2c: {  	[sflag:s13] =	ssyncadd.s32 $0xFFFFFF00  }
0x2d: {  	[hbm4b:s11+s2] =	stream.linear.scatter [tilespmem:s9], [sflag:$0x3], $0x2000, $0x38;
	[tilespmem:$0x2300] =	vst v63  }
0x2e: {  	_ =	swait.ge [sflag:s4], $0x2000  }
0x2f: {  	[sflag:s4] =	ssyncset.done $0x0  }
0x30: {  	[sflag:s4] =	ssyncadd.s32 $0xFFFFE000  }
0x31: {  	[hbm4b:s8+s2] =	stream.linear.scatter [tilespmem:s10], [sflag:$0x3], $0x100, $0x38;
	[tilespmem:$0x2300] =	vst v63  }
0x32: {  	_ =	swait.ge [sflag:s4], $0x100  }
0x33: {  	[sflag:s4] =	ssyncset.done $0x0  }
0x34: {  	[sflag:s4] =	ssyncadd.s32 $0xFFFFFF00  }
0x35: {  	[tilespmem:s2], [sflag:$0x3] =	stream.linear.gather [hbm4b:s5+s2], $0x100, $0x38;
	[tilespmem:$0x2300] =	vst v63  }
0x36: {  	_ =	swait.ge [sflag:s4], $0x100  }
0x37: {  	[sflag:s4] =	ssyncset.done $0x0  }
0x38: {  	[sflag:s4] =	ssyncadd.s32 $0xFFFFFF00  }
0x39: {  	v1 =	vld [tilespmem:$0xF0]  }
0x3a: {  	v2 =	vld [tilespmem:$0x30]  }
0x3b: {  	v3 =	vld [tilespmem:$0xE0]  }
0x3c: {  	v4 =	vld [tilespmem:$0xC0]  }
0x3d: {  	v5 =	vld [tilespmem:$0xB0]  }
0x3e: {  	v6 =	vld [tilespmem:$0xA0];
	v1 =	vadd.s32 v0, v1  }
0x3f: {  	v2 =	vadd.s32 v0, v2;
	v7 =	vld [tilespmem:$0x90];
	[tilespmem:$0x1F0] =	vst v1  }
0x40: {  	[tilespmem:$0x130] =	vst v2;
	v1 =	vld [tilespmem:$0x80];
	v2 =	vadd.s32 v0, v3  }
0x41: {  	v3 =	vld [tilespmem:$0x70];
	v4 =	vadd.s32 v0, v4;
	[tilespmem:$0x1E0] =	vst v2  }
0x42: {  	v2 =	vld [tilespmem:$0x60];
	v5 =	vadd.s32 v0, v5;
	[tilespmem:$0x1C0] =	vst v4  }
0x43: {  	v4 =	vld [tilespmem:$0x50];
	v6 =	vadd.s32 v0, v6;
	[tilespmem:$0x1B0] =	vst v5  }
0x44: {  	v5 =	vld [tilespmem:$0x40];
	v7 =	vadd.s32 v0, v7;
	[tilespmem:$0x1A0] =	vst v6  }
0x45: {  	v1 =	vadd.s32 v0, v1;
	[tilespmem:$0x190] =	vst v7;
	v6 =	vld [tilespmem:$0xD0]  }
0x46: {  	v7 =	vld [tilespmem:$0x20];
	v3 =	vadd.s32 v0, v3;
	[tilespmem:$0x180] =	vst v1  }
0x47: {  	v1 =	vld [tilespmem:$0x10];
	v2 =	vadd.s32 v0, v2;
	[tilespmem:$0x170] =	vst v3  }
0x48: {  	v3 =	vld [tilespmem:$0x0];
	v4 =	vadd.s32 v0, v4;
	[tilespmem:$0x160] =	vst v2  }
0x49: {  	v2 =	vadd.s32 v0, v5;
	[tilespmem:$0x150] =	vst v4  }
0x4a: {  	[tilespmem:$0x140] =	vst v2;
	v2 =	vadd.s32 v0, v6  }
.Ltmp1:
0x4b: {  	v4 =	vadd.s32 v0, v7;
	[tilespmem:$0x1D0] =	vst v2;
	(pc) =	sbr.rel @p0 .LBB2_1-.Ltmp1, $4  }
0x4c: {  	v1 =	vadd.s32 v0, v1;
	[tilespmem:$0x120] =	vst v4  }
0x4d: {  	v2 =	vadd.s32 v0, v3;
	[tilespmem:$0x110] =	vst v1  }
0x4e: {  	[tilespmem:$0x100] =	vst v2  }
0x4f: {  	[tilespmem:s9], [sflag:$0x1] =	stream.indirect.gather [hbm4b:s3+s12], $0x20, s12, s12, $0xb8;
	[tilespmem:$0x2300] =	vst v63  }
.LBB2_2:
0x50: {  	[tilespmem:s10], [sflag:$0x2] =	stream.indirect.gather [hbm4b:s6+s12], $0x1, s12, s12, $0xb8;
	[tilespmem:$0x2300] =	vst v63  }
0x51: {  	_ =	swait.ge [sflag:s7], $0x2000  }
0x52: {  	[sflag:s7] =	ssyncset.done $0x0  }
0x53: {  	[sflag:s7] =	ssyncadd.s32 $0xFFFFE000  }
0x54: {  	_ =	swait.ge [sflag:s13], $0x100  }
0x55: {  	[sflag:s13] =	ssyncset.done $0x0  }
0x56: {  	[sflag:s13] =	ssyncadd.s32 $0xFFFFFF00  }
0x57: {  	[hbm4b:s11+s2] =	stream.linear.scatter [tilespmem:s9], [sflag:$0x3], $0x2000, $0x38;
	[tilespmem:$0x2300] =	vst v63  }
0x58: {  	_ =	swait.ge [sflag:s4], $0x2000  }
0x59: {  	[sflag:s4] =	ssyncset.done $0x0  }
0x5a: {  	[sflag:s4] =	ssyncadd.s32 $0xFFFFE000  }
0x5b: {  	[hbm4b:s8+s2] =	stream.linear.scatter [tilespmem:s10], [sflag:$0x3], $0x100, $0x38;
	[tilespmem:$0x2300] =	vst v63  }
0x5c: {  	_ =	swait.ge [sflag:s4], $0x100  }
0x5d: {  	[sflag:s4] =	ssyncset.done $0x0  }
0x5e: {  	[sflag:s4] =	ssyncadd.s32 $0xFFFFFF00  }
0x5f: {  	_ =	sfence.sel $0x180000  }
0x60: {  	[bflag:$0x0] =	sbarrier.arrive $0xFFFF  }
0x61: {  	p0 =	sne.s32 s0, $0x0;
	_ =	strace $0x90000047  }
0x62: {  	s0 =	sadd.s32 @!p0 $0x100000, s1;
	[bflag:$0x2] =	sbarrier.arrive $0xFFFF  }
0x63: {  	[sflag:s0] =	ssyncadd.tile.s32 @!p0 $0x1;
	_ =	shalt  }
.Lfunc_end2:
_tile_overlayer_lowered:
.L_overlay_start_2:
0x64: {  	(tag) =	ssettag $0x2  }
0x65: {  	s0 =	rddreg [dreg:$0x0];
	s2 =	stileid.u32  }
0x66: {  	s1 =	rddreg [dreg:$0x1];
	p0 =	sne.s32 s2, $0x0  }
0x67: {  	s3 =	rddreg [dreg:$0x2];
	[bflag:$0x3] =	sbarrier.arrive $0xFFFF;
	s2 =	simm.s32 @!p0 $0x1C03  }
0x68: {  	[timem:s3], [sflag:s2] =	dma.local @!p0 [hbm:s0], s1  }
0x69: {  	s0 =	simm.s32 @!p0 $0x3  }
0x6a: {  	_ =	swait.ge @!p0 [sflag:s0], s1  }
0x6b: {  	s1 =	ssub.s32 @!p0 $0x0, s1;
	[sflag:s0] =	ssyncset.done @!p0 $0x0  }
0x6c: {  	[sflag:s0] =	ssyncadd.s32 @!p0 s1  }
0x6d: {  	[bflag:$0x3] =	sbarrier.arrive $0xFFFF  }
0x6e: {  	_ =	shalt  }

</sc_bundles>
